<compile_context>
chip_gen: v7x
topology: tpu7x:2x2x1
jax: 0.10.2.dev20260603
libtpu: 0.0.44.dev20260713+nightly
codegen_flags: <defaults>
</compile_context>

<pallas_src>
import functools

import jax
import jax.numpy as jnp
from jax import lax
from jax.experimental import pallas as pl
from jax.experimental.pallas import tpu as pltpu
from jax.experimental.pallas import tpu_sc as plsc

_LST = 64
_NB = 9


def _bisect_tau(z, axis):
    d = float(z.shape[axis])
    hi = jnp.max(z, axis=axis, keepdims=True)
    lo = hi - 1.0
    for _ in range(_NB):
        mid = 0.5 * (lo + hi)
        g = jnp.sum(jnp.maximum(z, mid), axis=axis, keepdims=True)
        ge = g >= 1.0 + d * mid
        lo = jnp.where(ge, mid, lo)
        hi = jnp.where(ge, hi, mid)
    sup = (z > lo).astype(jnp.float32)
    c = jnp.sum(sup, axis=axis, keepdims=True)
    s = jnp.sum(z * sup, axis=axis, keepdims=True)
    return jnp.clip((s - 1.0) / c, lo, hi)


def _body(x_ref, o_ref, *, t_block):
    z = x_ref[0]
    n_insts = z.shape[0]
    tau_i = _bisect_tau(z, axis=0)
    pi = jnp.maximum(z - tau_i, 0.0)
    nf = t_block // _LST
    zt = z.T.reshape(nf, _LST, n_insts)
    tau_t = _bisect_tau(zt, axis=1)
    pt = jnp.maximum(zt - tau_t, 0.0).reshape(t_block, n_insts).T
    o_ref[0] = pi * pt


def _tc_call(x):
    batch, n_insts, time = x.shape
    t_block = 2048
    if time % t_block:
        t_block = _LST
    grid = (batch, time // t_block)
    spec = pl.BlockSpec((1, n_insts, t_block), lambda b, t: (b, 0, t))
    return pl.pallas_call(
        functools.partial(_body, t_block=t_block),
        grid=grid,
        in_specs=[spec],
        out_specs=spec,
        out_shape=jax.ShapeDtypeStruct(x.shape, x.dtype),
    )(x)



_TC_SC = 256
_NFC = _TC_SC // _LST
_NW = 32


def _sc_bisect(load, n, interval):
    lo, hi = interval

    def bis(_, lh):
        lo, hi = lh
        mid = 0.5 * (lo + hi)

        def gs(i, acc):
            return acc + jnp.maximum(load(i), mid)

        g = lax.fori_loop(0, n, gs, jnp.zeros((16,), jnp.float32))
        ge = g >= 1.0 + float(n) * mid
        return jnp.where(ge, mid, lo), jnp.where(ge, hi, mid)

    lo, hi = lax.fori_loop(0, _NB, bis, (lo, hi))

    def cs(i, acc):
        c, s = acc
        v = load(i)
        sup = v > lo
        return (c + jnp.where(sup, 1.0, 0.0), s + jnp.where(sup, v, 0.0))

    zz = jnp.zeros((16,), jnp.float32)
    c, s = lax.fori_loop(0, n, cs, (zz, zz))
    return jnp.clip((s - 1.0) / c, lo, hi)


def _sc_maxv(load, n):
    def mx(i, m):
        return jnp.maximum(m, load(i))

    return lax.fori_loop(0, n, mx, jnp.full((16,), -3.4e38, jnp.float32))


def _sc_grid_kernel(body, out_struct, scratch):
    mesh = plsc.VectorSubcoreMesh(
        core_axis_name="c", subcore_axis_name="s", num_cores=2, num_subcores=16
    )
    return pl.kernel(body, out_type=out_struct, mesh=mesh, scratch_types=scratch)


def _sc_wid():
    return lax.axis_index("s") * 2 + lax.axis_index("c")


def _sc_call(x):
    B, NI, T = x.shape
    nfr = T // _LST
    ncols = NI * nfr
    cpt = ncols // _NW
    xt = x.reshape(B, NI, nfr, _LST).transpose(0, 3, 1, 2).reshape(B, _LST, ncols)

    def taut_body(xt_hbm, taut_hbm, xv, tv):
        wid = _sc_wid()
        for b in range(B):
            c0 = wid * cpt
            pltpu.sync_copy(xt_hbm.at[b, :, pl.ds(c0, cpt)], xv)

            def cg(k, _):
                q0 = k * 16
                ld = lambda p: xv[p, pl.ds(q0, 16)]
                m = _sc_maxv(ld, _LST)
                tv[pl.ds(q0, 16)] = _sc_bisect(ld, _LST, (m - 1.0, m))
                return 0

            lax.fori_loop(0, cpt // 16, cg, 0)
            pltpu.sync_copy(tv, taut_hbm.at[b, pl.ds(c0, cpt)])

    taut = _sc_grid_kernel(
        taut_body,
        jax.ShapeDtypeStruct((B, ncols), jnp.float32),
        [pltpu.VMEM((_LST, cpt), jnp.float32), pltpu.VMEM((cpt,), jnp.float32)],
    )(xt)
    taut_full = jnp.broadcast_to(
        taut.reshape(B, NI, nfr)[..., None], (B, NI, nfr, _LST)
    ).reshape(B, NI, T)

    tpt = T // _NW

    def taui_body(x_hbm, taui_hbm, xv, tv):
        wid = _sc_wid()
        for b in range(B):
            t0 = wid * tpt
            pltpu.sync_copy(x_hbm.at[b, :, pl.ds(t0, tpt)], xv)

            def cg(k, _):
                q0 = k * 16
                ld = lambda i: xv[i, pl.ds(q0, 16)]
                m = _sc_maxv(ld, NI)
                tv[pl.ds(q0, 16)] = _sc_bisect(ld, NI, (m - 1.0, m))
                return 0

            lax.fori_loop(0, tpt // 16, cg, 0)
            pltpu.sync_copy(tv, taui_hbm.at[b, pl.ds(t0, tpt)])

    taui = _sc_grid_kernel(
        taui_body,
        jax.ShapeDtypeStruct((B, T), jnp.float32),
        [pltpu.VMEM((NI, tpt), jnp.float32), pltpu.VMEM((tpt,), jnp.float32)],
    )(x)

    def comb_body(x_hbm, tt_hbm, ti_hbm, o_hbm, xv, ttv, tiv, ov):
        wid = _sc_wid()
        for b in range(B):
            t0 = wid * tpt
            pltpu.sync_copy(x_hbm.at[b, :, pl.ds(t0, tpt)], xv)
            pltpu.sync_copy(tt_hbm.at[b, :, pl.ds(t0, tpt)], ttv)
            pltpu.sync_copy(ti_hbm.at[b, pl.ds(t0, tpt)], tiv)

            def rw(i, _):
                def cw(k, _):
                    q0 = k * 16
                    v = xv[i, pl.ds(q0, 16)]
                    ti = tiv[pl.ds(q0, 16)]
                    tt = ttv[i, pl.ds(q0, 16)]
                    ov[i, pl.ds(q0, 16)] = (
                        jnp.maximum(v - ti, 0.0) * jnp.maximum(v - tt, 0.0)
                    )
                    return 0

                lax.fori_loop(0, tpt // 16, cw, 0)
                return 0

            lax.fori_loop(0, NI, rw, 0)
            pltpu.sync_copy(ov, o_hbm.at[b, :, pl.ds(t0, tpt)])

    return _sc_grid_kernel(
        comb_body,
        jax.ShapeDtypeStruct((B, NI, T), jnp.float32),
        [
            pltpu.VMEM((NI, tpt), jnp.float32),
            pltpu.VMEM((NI, tpt), jnp.float32),
            pltpu.VMEM((tpt,), jnp.float32),
            pltpu.VMEM((NI, tpt), jnp.float32),
        ],
    )(x, taut_full, taui)


_B_SC = 1


def kernel(midis_out):
    if _B_SC:
        out_sc = _sc_call(midis_out[:_B_SC])
        out_tc = _tc_call(midis_out[_B_SC:])
        return jnp.concatenate([out_sc, out_tc], axis=0)
    return _tc_call(midis_out)

# --- scband reference (transcript-rebuilt; emitter-appended) ---
"""Pipeline reference for scband-multiply-sparsemax-10720238370934 (READ-ONLY COPY).

The authoritative reference and input builder live on the scoring server;
editing this copy changes nothing except your own understanding.
"""

import jax, jax.numpy as jnp
import numpy as np

LST = 64

def sparsemax_lastdim(z):
    # numerically-stable sparsemax over the last axis (shift-invariant)
    z = z - jnp.max(z, axis=-1, keepdims=True)
    z_sorted = -jnp.sort(-z, axis=-1)  # descending
    z_cumsum = jnp.cumsum(z_sorted, axis=-1)
    d = z.shape[-1]
    k = jnp.arange(1, d + 1, dtype=z.dtype)
    support = (1.0 + k * z_sorted) > z_cumsum
    k_sum = jnp.sum(support, axis=-1, keepdims=True)  # number of support elems (>=1)
    tau_num = jnp.take_along_axis(z_cumsum, k_sum.astype(jnp.int32) - 1, axis=-1) - 1.0
    tau = tau_num / k_sum.astype(z.dtype)
    return jnp.maximum(z - tau, 0.0)


def setup_inputs(seed: int = 0) -> dict:
    key = jax.random.key(seed)
    midis_out = jax.random.normal(key, (16, 128, 8192), dtype=jnp.float32)
    return {"midis_out": midis_out}


def reference(midis_out):
    lst = LST
    batch, n_insts, time = midis_out.shape
    len_pad = (lst - time % lst) % lst
    x = jnp.pad(midis_out, ((0, 0), (0, 0), (0, len_pad)))
    # sparsemax over instruments (channel axis)
    inst = jnp.swapaxes(sparsemax_lastdim(jnp.swapaxes(x, 1, 2)), 1, 2)
    # sparsemax over time in frames of length lst
    t = x.reshape(batch, n_insts, (time + len_pad) // lst, lst)
    t = sparsemax_lastdim(t)
    t = t.reshape(batch, n_insts, time + len_pad)
    midis_final = inst[:, :, :time] * t[:, :, :time]
    return midis_final

if __name__ == "__main__":
    import jax
    _d = setup_inputs()
    print(jax.jit(kernel)(*tuple(_d.values())))

</pallas_src>

<mosaic_0001>
#map = affine_map<(d0, d1) -> (0, 0, 0)>
#map1 = affine_map<(d0, d1) -> (0, 0)>
module attributes {stable_mosaic.version = 14 : i64} {
  func.func @taut_body(%arg0: i32, %arg1: i32, %arg2: memref<1x64x16384xf32, #tpu.memory_space<hbm>>, %arg3: memref<1x16384xf32, #tpu.memory_space<hbm>>, %arg4: memref<64x512xf32, #tpu.memory_space<vmem>>, %arg5: memref<512xf32, #tpu.memory_space<vmem>>) attributes {dimension_semantics = [#tpu.dimension_semantics<core_parallel>, #tpu.dimension_semantics<subcore_parallel>], iteration_bounds = array<i64: 2, 16>, scalar_prefetch = 0 : i64, scratch_operands = 2 : i64, tpu.core_type = #tpu.core_type<sc_vector_subcore>, window_params = [{transform_indices = #map}, {transform_indices = #map1}]} {
    %mul3A = arith.constant 2 : i32
    %mul3A_0 = arith.muli %arg1, %mul3A : i32
    %add3A = arith.addi %mul3A_0, %arg0 : i32
    %mul3A_1 = arith.constant 512 : i32
    %mul3A_2 = arith.muli %add3A, %mul3A_1 : i32
    %run_scoped3A = arith.constant 0 : i32
    "tpu.region"() ({
      %run_scoped3A_10 = tpu.sem_alloc : memref<!tpu.dma_semaphore, #tpu.memory_space<semaphore_mem>>
      %dma_start3A = arith.constant 0 : i32
      %dma_start3A_11 = tpu.memref_slice %arg2[%run_scoped3A, %dma_start3A, %mul3A_2] : memref<1x64x16384xf32, #tpu.memory_space<hbm>> -> memref<1x64x512xf32, #tpu.memory_space<hbm>>
      %dma_start3A_12 = tpu.memref_squeeze %dma_start3A_11 : memref<1x64x512xf32, #tpu.memory_space<hbm>> -> memref<64x512xf32, #tpu.memory_space<hbm>>
      %dma_start3A_13 = arith.constant 0 : i32
      %dma_start3A_14 = tpu.memref_slice %arg2[%run_scoped3A, %dma_start3A_13, %mul3A_2] : memref<1x64x16384xf32, #tpu.memory_space<hbm>> -> memref<1x64x512xf32, #tpu.memory_space<hbm>>
      %dma_start3A_15 = tpu.memref_squeeze %dma_start3A_14 : memref<1x64x512xf32, #tpu.memory_space<hbm>> -> memref<64x512xf32, #tpu.memory_space<hbm>>
      tpu.enqueue_dma source(%dma_start3A_15 : memref<64x512xf32, #tpu.memory_space<hbm>>) target(%arg4 : memref<64x512xf32, #tpu.memory_space<vmem>>) target_semaphore(%run_scoped3A_10 : memref<!tpu.dma_semaphore, #tpu.memory_space<semaphore_mem>>)
      %dma_wait3A = arith.constant 0 : i32
      %dma_wait3A_16 = tpu.memref_slice %arg2[%run_scoped3A, %dma_wait3A, %mul3A_2] : memref<1x64x16384xf32, #tpu.memory_space<hbm>> -> memref<1x64x512xf32, #tpu.memory_space<hbm>>
      %dma_wait3A_17 = tpu.memref_squeeze %dma_wait3A_16 : memref<1x64x512xf32, #tpu.memory_space<hbm>> -> memref<64x512xf32, #tpu.memory_space<hbm>>
      %dma_wait3A_18 = arith.constant 0 : i32
      %dma_wait3A_19 = tpu.memref_slice %arg2[%run_scoped3A, %dma_wait3A_18, %mul3A_2] : memref<1x64x16384xf32, #tpu.memory_space<hbm>> -> memref<1x64x512xf32, #tpu.memory_space<hbm>>
      %dma_wait3A_20 = tpu.memref_squeeze %dma_wait3A_19 : memref<1x64x512xf32, #tpu.memory_space<hbm>> -> memref<64x512xf32, #tpu.memory_space<hbm>>
      tpu.wait_dma2 semaphore(%run_scoped3A_10 : memref<!tpu.dma_semaphore, #tpu.memory_space<semaphore_mem>>) src(%dma_wait3A_20 : memref<64x512xf32, #tpu.memory_space<hbm>>) dst(%arg4 : memref<64x512xf32, #tpu.memory_space<vmem>>)
      tpu.yield
    }) : () -> ()
    %scan3A = arith.constant 0 : i32
    %scan3A_3 = arith.constant 0 : i32
    %scan3A_4 = arith.constant 32 : i32
    %scan3A_5 = arith.addi %scan3A_3, %scan3A_4 : i32
    %scan3A_6 = arith.constant 1 : i32
    %scan3A_7 = scf.for %scan3A_10 = %scan3A_3 to %scan3A_5 step %scan3A_6 iter_args(%scan3A_11 = %scan3A) -> (i32)  : i32 {
      %mul3A_12 = arith.constant 16 : i32
      %mul3A_13 = arith.muli %scan3A_10, %mul3A_12 : i32
      %broadcast_in_dim3A = arith.constant -3.400000e+38 : f32
      %broadcast_in_dim3A_14 = vector.broadcast %broadcast_in_dim3A : f32 to vector<16xf32>
      %scan3A_15 = arith.constant 0 : i32
      %scan3A_16 = arith.constant 64 : i32
      %scan3A_17 = arith.addi %scan3A_15, %scan3A_16 : i32
      %scan3A_18 = arith.constant 1 : i32
      %scan3A_19 = scf.for %scan3A_44 = %scan3A_15 to %scan3A_17 step %scan3A_18 iter_args(%scan3A_45 = %broadcast_in_dim3A_14) -> (vector<16xf32>)  : i32 {
        %get3A = arith.index_cast %scan3A_44 : i32 to index
        %get3A_46 = arith.index_cast %mul3A_13 : i32 to index
        %get3A_47 = tpu.vector_load %arg4[%get3A, %get3A_46] {strides = array<i32>} : memref<64x512xf32, #tpu.memory_space<vmem>>, vector<1x16xf32>,
        %get3A_48 = vector.shape_cast %get3A_47 : vector<1x16xf32> to vector<16xf32>
        %max3A_49 = arith.maximumf %scan3A_45, %get3A_48 : vector<16xf32>
        scf.yield %max3A_49 : vector<16xf32>
      }
      %scan3A_20 = arith.constant 64 : i32
      %sub3A = arith.constant 1.000000e+00 : f32
      %sub3A_21 = vector.broadcast %sub3A : f32 to vector<16xf32>
      %sub3A_22 = arith.subf %scan3A_19, %sub3A_21 : vector<16xf32>
      %scan3A_23 = arith.constant 0 : i32
      %scan3A_24 = arith.constant 9 : i32
      %scan3A_25 = arith.addi %scan3A_23, %scan3A_24 : i32
      %scan3A_26 = arith.constant 1 : i32
      %scan3A_27:2 = scf.for %scan3A_44 = %scan3A_23 to %scan3A_25 step %scan3A_26 iter_args(%scan3A_45 = %sub3A_22, %scan3A_46 = %scan3A_19) -> (vector<16xf32>, vector<16xf32>)  : i32 {
        %add3A_47 = arith.addf %scan3A_45, %scan3A_46 : vector<16xf32>
        %mul3A_48 = arith.constant 5.000000e-01 : f32
        %mul3A_49 = vector.broadcast %mul3A_48 : f32 to vector<16xf32>
        %mul3A_50 = arith.mulf %mul3A_49, %add3A_47 : vector<16xf32>
        %broadcast_in_dim3A_51 = arith.constant 0.000000e+00 : f32
        %broadcast_in_dim3A_52 = vector.broadcast %broadcast_in_dim3A_51 : f32 to vector<16xf32>
        %scan3A_53 = arith.constant 0 : i32
        %scan3A_54 = arith.constant 64 : i32
        %scan3A_55 = arith.addi %scan3A_53, %scan3A_54 : i32
        %scan3A_56 = arith.constant 1 : i32
        %scan3A_57 = scf.for %scan3A_66 = %scan3A_53 to %scan3A_55 step %scan3A_56 iter_args(%scan3A_67 = %broadcast_in_dim3A_52) -> (vector<16xf32>)  : i32 {
          %get3A = arith.index_cast %scan3A_66 : i32 to index
          %get3A_68 = arith.index_cast %mul3A_13 : i32 to index
          %get3A_69 = tpu.vector_load %arg4[%get3A, %get3A_68] {strides = array<i32>} : memref<64x512xf32, #tpu.memory_space<vmem>>, vector<1x16xf32>,
          %get3A_70 = vector.shape_cast %get3A_69 : vector<1x16xf32> to vector<16xf32>
          %max3A_71 = arith.maximumf %get3A_70, %mul3A_50 : vector<16xf32>
          %add3A_72 = arith.addf %scan3A_67, %max3A_71 : vector<16xf32>
          scf.yield %add3A_72 : vector<16xf32>
        }
        %scan3A_58 = arith.constant 64 : i32
        %mul3A_59 = arith.constant 6.400000e+01 : f32
        %mul3A_60 = vector.broadcast %mul3A_59 : f32 to vector<16xf32>
        %mul3A_61 = arith.mulf %mul3A_60, %mul3A_50 : vector<16xf32>
        %add3A_62 = arith.constant 1.000000e+00 : f32
        %add3A_63 = vector.broadcast %add3A_62 : f32 to vector<16xf32>
        %add3A_64 = arith.addf %add3A_63, %mul3A_61 : vector<16xf32>
        %ge3A = arith.cmpf oge, %scan3A_57, %add3A_64 : vector<16xf32>
        %select_n3A = arith.select %ge3A, %mul3A_50, %scan3A_45 : vector<16xi1>, vector<16xf32>
        %select_n3A_65 = arith.select %ge3A, %scan3A_46, %mul3A_50 : vector<16xi1>, vector<16xf32>
        scf.yield %select_n3A, %select_n3A_65 : vector<16xf32>, vector<16xf32>
      }
      %scan3A_28 = arith.constant 9 : i32
      %broadcast_in_dim3A_29 = arith.constant 0.000000e+00 : f32
      %broadcast_in_dim3A_30 = vector.broadcast %broadcast_in_dim3A_29 : f32 to vector<16xf32>
      %scan3A_31 = arith.constant 0 : i32
      %scan3A_32 = arith.constant 64 : i32
      %scan3A_33 = arith.addi %scan3A_31, %scan3A_32 : i32
      %scan3A_34 = arith.constant 1 : i32
      %scan3A_35:2 = scf.for %scan3A_44 = %scan3A_31 to %scan3A_33 step %scan3A_34 iter_args(%scan3A_45 = %broadcast_in_dim3A_30, %scan3A_46 = %broadcast_in_dim3A_30) -> (vector<16xf32>, vector<16xf32>)  : i32 {
        %get3A = arith.index_cast %scan3A_44 : i32 to index
        %get3A_47 = arith.index_cast %mul3A_13 : i32 to index
        %get3A_48 = tpu.vector_load %arg4[%get3A, %get3A_47] {strides = array<i32>} : memref<64x512xf32, #tpu.memory_space<vmem>>, vector<1x16xf32>,
        %get3A_49 = vector.shape_cast %get3A_48 : vector<1x16xf32> to vector<16xf32>
        %gt3A = arith.cmpf ogt, %get3A_49, %scan3A_27#0 : vector<16xf32>
        %jit3A = arith.constant 1.000000e+00 : f32
        %jit3A_50 = arith.constant 0.000000e+00 : f32
        %broadcast_in_dim3A_51 = vector.broadcast %jit3A : f32 to vector<16xf32>
        %broadcast_in_dim3A_52 = vector.broadcast %jit3A_50 : f32 to vector<16xf32>
        %select_n3A = arith.select %gt3A, %broadcast_in_dim3A_51, %broadcast_in_dim3A_52 : vector<16xi1>, vector<16xf32>
        %add3A_53 = arith.addf %scan3A_45, %select_n3A : vector<16xf32>
        %jit3A_54 = arith.constant 0.000000e+00 : f32
        %broadcast_in_dim3A_55 = vector.broadcast %jit3A_54 : f32 to vector<16xf32>
        %select_n3A_56 = arith.select %gt3A, %get3A_49, %broadcast_in_dim3A_55 : vector<16xi1>, vector<16xf32>
        %add3A_57 = arith.addf %scan3A_46, %select_n3A_56 : vector<16xf32>
        scf.yield %add3A_53, %add3A_57 : vector<16xf32>, vector<16xf32>
      }
      %scan3A_36 = arith.constant 64 : i32
      %sub3A_37 = arith.constant 1.000000e+00 : f32
      %sub3A_38 = vector.broadcast %sub3A_37 : f32 to vector<16xf32>
      %sub3A_39 = arith.subf %scan3A_35#1, %sub3A_38 : vector<16xf32>
      %div3A = arith.divf %sub3A_39, %scan3A_35#0 : vector<16xf32>
      %max3A = arith.maximumf %scan3A_27#0, %div3A : vector<16xf32>
      %min3A = arith.minimumf %scan3A_27#1, %max3A : vector<16xf32>
      %swap3A = arith.index_cast %mul3A_13 : i32 to index
      %swap3A_40 = tpu.vector_load %arg5[%swap3A] {strides = array<i32>} : memref<512xf32, #tpu.memory_space<vmem>>, vector<16xf32>,
      %swap3A_41 = vector.shape_cast %swap3A_40 : vector<16xf32> to vector<16xf32>
      %swap3A_42 = vector.shape_cast %min3A : vector<16xf32> to vector<16xf32>
      tpu.vector_store %arg5[%swap3A], %swap3A_42 {strides = array<i32>} : memref<512xf32, #tpu.memory_space<vmem>>, vector<16xf32>,
      %scan3A_43 = arith.constant 0 : i32
      scf.yield %scan3A_43 : i32
    }
    %scan3A_8 = arith.constant 32 : i32
    %run_scoped3A_9 = arith.constant 0 : i32
    "tpu.region"() ({
      %run_scoped3A_10 = tpu.sem_alloc : memref<!tpu.dma_semaphore, #tpu.memory_space<semaphore_mem>>
      %dma_start3A = tpu.memref_slice %arg3[%run_scoped3A_9, %mul3A_2] : memref<1x16384xf32, #tpu.memory_space<hbm>> -> memref<1x512xf32, #tpu.memory_space<hbm>>
      %dma_start3A_11 = tpu.memref_squeeze %dma_start3A : memref<1x512xf32, #tpu.memory_space<hbm>> -> memref<512xf32, #tpu.memory_space<hbm>>
      %dma_start3A_12 = tpu.memref_slice %arg3[%run_scoped3A_9, %mul3A_2] : memref<1x16384xf32, #tpu.memory_space<hbm>> -> memref<1x512xf32, #tpu.memory_space<hbm>>
      %dma_start3A_13 = tpu.memref_squeeze %dma_start3A_12 : memref<1x512xf32, #tpu.memory_space<hbm>> -> memref<512xf32, #tpu.memory_space<hbm>>
      tpu.enqueue_dma source(%arg5 : memref<512xf32, #tpu.memory_space<vmem>>) target(%dma_start3A_13 : memref<512xf32, #tpu.memory_space<hbm>>) target_semaphore(%run_scoped3A_10 : memref<!tpu.dma_semaphore, #tpu.memory_space<semaphore_mem>>)
      %dma_wait3A = tpu.memref_slice %arg3[%run_scoped3A_9, %mul3A_2] : memref<1x16384xf32, #tpu.memory_space<hbm>> -> memref<1x512xf32, #tpu.memory_space<hbm>>
      %dma_wait3A_14 = tpu.memref_squeeze %dma_wait3A : memref<1x512xf32, #tpu.memory_space<hbm>> -> memref<512xf32, #tpu.memory_space<hbm>>
      %dma_wait3A_15 = tpu.memref_slice %arg3[%run_scoped3A_9, %mul3A_2] : memref<1x16384xf32, #tpu.memory_space<hbm>> -> memref<1x512xf32, #tpu.memory_space<hbm>>
      %dma_wait3A_16 = tpu.memref_squeeze %dma_wait3A_15 : memref<1x512xf32, #tpu.memory_space<hbm>> -> memref<512xf32, #tpu.memory_space<hbm>>
      tpu.wait_dma2 semaphore(%run_scoped3A_10 : memref<!tpu.dma_semaphore, #tpu.memory_space<semaphore_mem>>) src(%arg5 : memref<512xf32, #tpu.memory_space<vmem>>) dst(%dma_wait3A_16 : memref<512xf32, #tpu.memory_space<hbm>>)
      tpu.yield
    }) : () -> ()
    return
  }
}

#map = affine_map<(d0, d1) -> (0, 0, 0)>
#map1 = affine_map<(d0, d1) -> (0, 0)>
module attributes {stable_mosaic.version = 14 : i64} {
  func.func @comb_body(%arg0: i32, %arg1: i32, %arg2: memref<1x128x8192xf32, #tpu.memory_space<hbm>>, %arg3: memref<1x128x8192xf32, #tpu.memory_space<hbm>>, %arg4: memref<1x8192xf32, #tpu.memory_space<hbm>>, %arg5: memref<1x128x8192xf32, #tpu.memory_space<hbm>>, %arg6: memref<128x256xf32, #tpu.memory_space<vmem>>, %arg7: memref<128x256xf32, #tpu.memory_space<vmem>>, %arg8: memref<256xf32, #tpu.memory_space<vmem>>, %arg9: memref<128x256xf32, #tpu.memory_space<vmem>>) attributes {dimension_semantics = [#tpu.dimension_semantics<core_parallel>, #tpu.dimension_semantics<subcore_parallel>], iteration_bounds = array<i64: 2, 16>, scalar_prefetch = 0 : i64, scratch_operands = 4 : i64, tpu.core_type = #tpu.core_type<sc_vector_subcore>, window_params = [{transform_indices = #map}, {transform_indices = #map}, {transform_indices = #map1}, {transform_indices = #map}]} {
    %mul3A = arith.constant 2 : i32
    %mul3A_0 = arith.muli %arg1, %mul3A : i32
    %add3A = arith.addi %mul3A_0, %arg0 : i32
    %mul3A_1 = arith.constant 256 : i32
    %mul3A_2 = arith.muli %add3A, %mul3A_1 : i32
    %run_scoped3A = arith.constant 0 : i32
    "tpu.region"() ({
      %run_scoped3A_12 = tpu.sem_alloc : memref<!tpu.dma_semaphore, #tpu.memory_space<semaphore_mem>>
      %dma_start3A = arith.constant 0 : i32
      %dma_start3A_13 = tpu.memref_slice %arg2[%run_scoped3A, %dma_start3A, %mul3A_2] : memref<1x128x8192xf32, #tpu.memory_space<hbm>> -> memref<1x128x256xf32, #tpu.memory_space<hbm>>
      %dma_start3A_14 = tpu.memref_squeeze %dma_start3A_13 : memref<1x128x256xf32, #tpu.memory_space<hbm>> -> memref<128x256xf32, #tpu.memory_space<hbm>>
      %dma_start3A_15 = arith.constant 0 : i32
      %dma_start3A_16 = tpu.memref_slice %arg2[%run_scoped3A, %dma_start3A_15, %mul3A_2] : memref<1x128x8192xf32, #tpu.memory_space<hbm>> -> memref<1x128x256xf32, #tpu.memory_space<hbm>>
      %dma_start3A_17 = tpu.memref_squeeze %dma_start3A_16 : memref<1x128x256xf32, #tpu.memory_space<hbm>> -> memref<128x256xf32, #tpu.memory_space<hbm>>
      tpu.enqueue_dma source(%dma_start3A_17 : memref<128x256xf32, #tpu.memory_space<hbm>>) target(%arg6 : memref<128x256xf32, #tpu.memory_space<vmem>>) target_semaphore(%run_scoped3A_12 : memref<!tpu.dma_semaphore, #tpu.memory_space<semaphore_mem>>)
      %dma_wait3A = arith.constant 0 : i32
      %dma_wait3A_18 = tpu.memref_slice %arg2[%run_scoped3A, %dma_wait3A, %mul3A_2] : memref<1x128x8192xf32, #tpu.memory_space<hbm>> -> memref<1x128x256xf32, #tpu.memory_space<hbm>>
      %dma_wait3A_19 = tpu.memref_squeeze %dma_wait3A_18 : memref<1x128x256xf32, #tpu.memory_space<hbm>> -> memref<128x256xf32, #tpu.memory_space<hbm>>
      %dma_wait3A_20 = arith.constant 0 : i32
      %dma_wait3A_21 = tpu.memref_slice %arg2[%run_scoped3A, %dma_wait3A_20, %mul3A_2] : memref<1x128x8192xf32, #tpu.memory_space<hbm>> -> memref<1x128x256xf32, #tpu.memory_space<hbm>>
      %dma_wait3A_22 = tpu.memref_squeeze %dma_wait3A_21 : memref<1x128x256xf32, #tpu.memory_space<hbm>> -> memref<128x256xf32, #tpu.memory_space<hbm>>
      tpu.wait_dma2 semaphore(%run_scoped3A_12 : memref<!tpu.dma_semaphore, #tpu.memory_space<semaphore_mem>>) src(%dma_wait3A_22 : memref<128x256xf32, #tpu.memory_space<hbm>>) dst(%arg6 : memref<128x256xf32, #tpu.memory_space<vmem>>)
      tpu.yield
    }) : () -> ()
    %run_scoped3A_3 = arith.constant 0 : i32
    "tpu.region"() ({
      %run_scoped3A_12 = tpu.sem_alloc : memref<!tpu.dma_semaphore, #tpu.memory_space<semaphore_mem>>
      %dma_start3A = arith.constant 0 : i32
      %dma_start3A_13 = tpu.memref_slice %arg3[%run_scoped3A_3, %dma_start3A, %mul3A_2] : memref<1x128x8192xf32, #tpu.memory_space<hbm>> -> memref<1x128x256xf32, #tpu.memory_space<hbm>>
      %dma_start3A_14 = tpu.memref_squeeze %dma_start3A_13 : memref<1x128x256xf32, #tpu.memory_space<hbm>> -> memref<128x256xf32, #tpu.memory_space<hbm>>
      %dma_start3A_15 = arith.constant 0 : i32
      %dma_start3A_16 = tpu.memref_slice %arg3[%run_scoped3A_3, %dma_start3A_15, %mul3A_2] : memref<1x128x8192xf32, #tpu.memory_space<hbm>> -> memref<1x128x256xf32, #tpu.memory_space<hbm>>
      %dma_start3A_17 = tpu.memref_squeeze %dma_start3A_16 : memref<1x128x256xf32, #tpu.memory_space<hbm>> -> memref<128x256xf32, #tpu.memory_space<hbm>>
      tpu.enqueue_dma source(%dma_start3A_17 : memref<128x256xf32, #tpu.memory_space<hbm>>) target(%arg7 : memref<128x256xf32, #tpu.memory_space<vmem>>) target_semaphore(%run_scoped3A_12 : memref<!tpu.dma_semaphore, #tpu.memory_space<semaphore_mem>>)
      %dma_wait3A = arith.constant 0 : i32
      %dma_wait3A_18 = tpu.memref_slice %arg3[%run_scoped3A_3, %dma_wait3A, %mul3A_2] : memref<1x128x8192xf32, #tpu.memory_space<hbm>> -> memref<1x128x256xf32, #tpu.memory_space<hbm>>
      %dma_wait3A_19 = tpu.memref_squeeze %dma_wait3A_18 : memref<1x128x256xf32, #tpu.memory_space<hbm>> -> memref<128x256xf32, #tpu.memory_space<hbm>>
      %dma_wait3A_20 = arith.constant 0 : i32
      %dma_wait3A_21 = tpu.memref_slice %arg3[%run_scoped3A_3, %dma_wait3A_20, %mul3A_2] : memref<1x128x8192xf32, #tpu.memory_space<hbm>> -> memref<1x128x256xf32, #tpu.memory_space<hbm>>
      %dma_wait3A_22 = tpu.memref_squeeze %dma_wait3A_21 : memref<1x128x256xf32, #tpu.memory_space<hbm>> -> memref<128x256xf32, #tpu.memory_space<hbm>>
      tpu.wait_dma2 semaphore(%run_scoped3A_12 : memref<!tpu.dma_semaphore, #tpu.memory_space<semaphore_mem>>) src(%dma_wait3A_22 : memref<128x256xf32, #tpu.memory_space<hbm>>) dst(%arg7 : memref<128x256xf32, #tpu.memory_space<vmem>>)
      tpu.yield
    }) : () -> ()
    %run_scoped3A_4 = arith.constant 0 : i32
    "tpu.region"() ({
      %run_scoped3A_12 = tpu.sem_alloc : memref<!tpu.dma_semaphore, #tpu.memory_space<semaphore_mem>>
      %dma_start3A = tpu.memref_slice %arg4[%run_scoped3A_4, %mul3A_2] : memref<1x8192xf32, #tpu.memory_space<hbm>> -> memref<1x256xf32, #tpu.memory_space<hbm>>
      %dma_start3A_13 = tpu.memref_squeeze %dma_start3A : memref<1x256xf32, #tpu.memory_space<hbm>> -> memref<256xf32, #tpu.memory_space<hbm>>
      %dma_start3A_14 = tpu.memref_slice %arg4[%run_scoped3A_4, %mul3A_2] : memref<1x8192xf32, #tpu.memory_space<hbm>> -> memref<1x256xf32, #tpu.memory_space<hbm>>
      %dma_start3A_15 = tpu.memref_squeeze %dma_start3A_14 : memref<1x256xf32, #tpu.memory_space<hbm>> -> memref<256xf32, #tpu.memory_space<hbm>>
      tpu.enqueue_dma source(%dma_start3A_15 : memref<256xf32, #tpu.memory_space<hbm>>) target(%arg8 : memref<256xf32, #tpu.memory_space<vmem>>) target_semaphore(%run_scoped3A_12 : memref<!tpu.dma_semaphore, #tpu.memory_space<semaphore_mem>>)
      %dma_wait3A = tpu.memref_slice %arg4[%run_scoped3A_4, %mul3A_2] : memref<1x8192xf32, #tpu.memory_space<hbm>> -> memref<1x256xf32, #tpu.memory_space<hbm>>
      %dma_wait3A_16 = tpu.memref_squeeze %dma_wait3A : memref<1x256xf32, #tpu.memory_space<hbm>> -> memref<256xf32, #tpu.memory_space<hbm>>
      %dma_wait3A_17 = tpu.memref_slice %arg4[%run_scoped3A_4, %mul3A_2] : memref<1x8192xf32, #tpu.memory_space<hbm>> -> memref<1x256xf32, #tpu.memory_space<hbm>>
      %dma_wait3A_18 = tpu.memref_squeeze %dma_wait3A_17 : memref<1x256xf32, #tpu.memory_space<hbm>> -> memref<256xf32, #tpu.memory_space<hbm>>
      tpu.wait_dma2 semaphore(%run_scoped3A_12 : memref<!tpu.dma_semaphore, #tpu.memory_space<semaphore_mem>>) src(%dma_wait3A_18 : memref<256xf32, #tpu.memory_space<hbm>>) dst(%arg8 : memref<256xf32, #tpu.memory_space<vmem>>)
      tpu.yield
    }) : () -> ()
    %scan3A = arith.constant 0 : i32
    %scan3A_5 = arith.constant 0 : i32
    %scan3A_6 = arith.constant 128 : i32
    %scan3A_7 = arith.addi %scan3A_5, %scan3A_6 : i32
    %scan3A_8 = arith.constant 1 : i32
    %scan3A_9 = scf.for %scan3A_12 = %scan3A_5 to %scan3A_7 step %scan3A_8 iter_args(%scan3A_13 = %scan3A) -> (i32)  : i32 {
      %scan3A_14 = arith.constant 0 : i32
      %scan3A_15 = arith.constant 0 : i32
      %scan3A_16 = arith.constant 16 : i32
      %scan3A_17 = arith.addi %scan3A_15, %scan3A_16 : i32
      %scan3A_18 = arith.constant 1 : i32
      %scan3A_19 = scf.for %scan3A_22 = %scan3A_15 to %scan3A_17 step %scan3A_18 iter_args(%scan3A_23 = %scan3A_14) -> (i32)  : i32 {
        %mul3A_24 = arith.constant 16 : i32
        %mul3A_25 = arith.muli %scan3A_22, %mul3A_24 : i32
        %get3A = arith.index_cast %scan3A_12 : i32 to index
        %get3A_26 = arith.index_cast %mul3A_25 : i32 to index
        %get3A_27 = tpu.vector_load %arg6[%get3A, %get3A_26] {strides = array<i32>} : memref<128x256xf32, #tpu.memory_space<vmem>>, vector<1x16xf32>,
        %get3A_28 = vector.shape_cast %get3A_27 : vector<1x16xf32> to vector<16xf32>
        %get3A_29 = arith.index_cast %mul3A_25 : i32 to index
        %get3A_30 = tpu.vector_load %arg8[%get3A_29] {strides = array<i32>} : memref<256xf32, #tpu.memory_space<vmem>>, vector<16xf32>,
        %get3A_31 = vector.shape_cast %get3A_30 : vector<16xf32> to vector<16xf32>
        %get3A_32 = arith.index_cast %scan3A_12 : i32 to index
        %get3A_33 = arith.index_cast %mul3A_25 : i32 to index
        %get3A_34 = tpu.vector_load %arg7[%get3A_32, %get3A_33] {strides = array<i32>} : memref<128x256xf32, #tpu.memory_space<vmem>>, vector<1x16xf32>,
        %get3A_35 = vector.shape_cast %get3A_34 : vector<1x16xf32> to vector<16xf32>
        %sub3A = arith.subf %get3A_28, %get3A_31 : vector<16xf32>
        %max3A = arith.constant 0.000000e+00 : f32
        %max3A_36 = vector.broadcast %max3A : f32 to vector<16xf32>
        %max3A_37 = arith.maximumf %sub3A, %max3A_36 : vector<16xf32>
        %sub3A_38 = arith.subf %get3A_28, %get3A_35 : vector<16xf32>
        %max3A_39 = arith.constant 0.000000e+00 : f32
        %max3A_40 = vector.broadcast %max3A_39 : f32 to vector<16xf32>
        %max3A_41 = arith.maximumf %sub3A_38, %max3A_40 : vector<16xf32>
        %mul3A_42 = arith.mulf %max3A_37, %max3A_41 : vector<16xf32>
        %swap3A = arith.index_cast %scan3A_12 : i32 to index
        %swap3A_43 = arith.index_cast %mul3A_25 : i32 to index
        %swap3A_44 = tpu.vector_load %arg9[%swap3A, %swap3A_43] {strides = array<i32>} : memref<128x256xf32, #tpu.memory_space<vmem>>, vector<1x16xf32>,
        %swap3A_45 = vector.shape_cast %swap3A_44 : vector<1x16xf32> to vector<16xf32>
        %swap3A_46 = vector.shape_cast %mul3A_42 : vector<16xf32> to vector<1x16xf32>
        tpu.vector_store %arg9[%swap3A, %swap3A_43], %swap3A_46 {strides = array<i32>} : memref<128x256xf32, #tpu.memory_space<vmem>>, vector<1x16xf32>,
        %scan3A_47 = arith.constant 0 : i32
        scf.yield %scan3A_47 : i32
      }
      %scan3A_20 = arith.constant 16 : i32
      %scan3A_21 = arith.constant 0 : i32
      scf.yield %scan3A_21 : i32
    }
    %scan3A_10 = arith.constant 128 : i32
    %run_scoped3A_11 = arith.constant 0 : i32
    "tpu.region"() ({
      %run_scoped3A_12 = tpu.sem_alloc : memref<!tpu.dma_semaphore, #tpu.memory_space<semaphore_mem>>
      %dma_start3A = arith.constant 0 : i32
      %dma_start3A_13 = tpu.memref_slice %arg5[%run_scoped3A_11, %dma_start3A, %mul3A_2] : memref<1x128x8192xf32, #tpu.memory_space<hbm>> -> memref<1x128x256xf32, #tpu.memory_space<hbm>>
      %dma_start3A_14 = tpu.memref_squeeze %dma_start3A_13 : memref<1x128x256xf32, #tpu.memory_space<hbm>> -> memref<128x256xf32, #tpu.memory_space<hbm>>
      %dma_start3A_15 = arith.constant 0 : i32
      %dma_start3A_16 = tpu.memref_slice %arg5[%run_scoped3A_11, %dma_start3A_15, %mul3A_2] : memref<1x128x8192xf32, #tpu.memory_space<hbm>> -> memref<1x128x256xf32, #tpu.memory_space<hbm>>
      %dma_start3A_17 = tpu.memref_squeeze %dma_start3A_16 : memref<1x128x256xf32, #tpu.memory_space<hbm>> -> memref<128x256xf32, #tpu.memory_space<hbm>>
      tpu.enqueue_dma source(%arg9 : memref<128x256xf32, #tpu.memory_space<vmem>>) target(%dma_start3A_17 : memref<128x256xf32, #tpu.memory_space<hbm>>) target_semaphore(%run_scoped3A_12 : memref<!tpu.dma_semaphore, #tpu.memory_space<semaphore_mem>>)
      %dma_wait3A = arith.constant 0 : i32
      %dma_wait3A_18 = tpu.memref_slice %arg5[%run_scoped3A_11, %dma_wait3A, %mul3A_2] : memref<1x128x8192xf32, #tpu.memory_space<hbm>> -> memref<1x128x256xf32, #tpu.memory_space<hbm>>
      %dma_wait3A_19 = tpu.memref_squeeze %dma_wait3A_18 : memref<1x128x256xf32, #tpu.memory_space<hbm>> -> memref<128x256xf32, #tpu.memory_space<hbm>>
      %dma_wait3A_20 = arith.constant 0 : i32
      %dma_wait3A_21 = tpu.memref_slice %arg5[%run_scoped3A_11, %dma_wait3A_20, %mul3A_2] : memref<1x128x8192xf32, #tpu.memory_space<hbm>> -> memref<1x128x256xf32, #tpu.memory_space<hbm>>
      %dma_wait3A_22 = tpu.memref_squeeze %dma_wait3A_21 : memref<1x128x256xf32, #tpu.memory_space<hbm>> -> memref<128x256xf32, #tpu.memory_space<hbm>>
      tpu.wait_dma2 semaphore(%run_scoped3A_12 : memref<!tpu.dma_semaphore, #tpu.memory_space<semaphore_mem>>) src(%arg9 : memref<128x256xf32, #tpu.memory_space<vmem>>) dst(%dma_wait3A_22 : memref<128x256xf32, #tpu.memory_space<hbm>>)
      tpu.yield
    }) : () -> ()
    return
  }
}

#map = affine_map<(d0, d1) -> (0, 0, 0)>
#map1 = affine_map<(d0, d1) -> (0, 0)>
module attributes {stable_mosaic.version = 14 : i64} {
  func.func @taui_body(%arg0: i32, %arg1: i32, %arg2: memref<1x128x8192xf32, #tpu.memory_space<hbm>>, %arg3: memref<1x8192xf32, #tpu.memory_space<hbm>>, %arg4: memref<128x256xf32, #tpu.memory_space<vmem>>, %arg5: memref<256xf32, #tpu.memory_space<vmem>>) attributes {dimension_semantics = [#tpu.dimension_semantics<core_parallel>, #tpu.dimension_semantics<subcore_parallel>], iteration_bounds = array<i64: 2, 16>, scalar_prefetch = 0 : i64, scratch_operands = 2 : i64, tpu.core_type = #tpu.core_type<sc_vector_subcore>, window_params = [{transform_indices = #map}, {transform_indices = #map1}]} {
    %mul3A = arith.constant 2 : i32
    %mul3A_0 = arith.muli %arg1, %mul3A : i32
    %add3A = arith.addi %mul3A_0, %arg0 : i32
    %mul3A_1 = arith.constant 256 : i32
    %mul3A_2 = arith.muli %add3A, %mul3A_1 : i32
    %run_scoped3A = arith.constant 0 : i32
    "tpu.region"() ({
      %run_scoped3A_10 = tpu.sem_alloc : memref<!tpu.dma_semaphore, #tpu.memory_space<semaphore_mem>>
      %dma_start3A = arith.constant 0 : i32
      %dma_start3A_11 = tpu.memref_slice %arg2[%run_scoped3A, %dma_start3A, %mul3A_2] : memref<1x128x8192xf32, #tpu.memory_space<hbm>> -> memref<1x128x256xf32, #tpu.memory_space<hbm>>
      %dma_start3A_12 = tpu.memref_squeeze %dma_start3A_11 : memref<1x128x256xf32, #tpu.memory_space<hbm>> -> memref<128x256xf32, #tpu.memory_space<hbm>>
      %dma_start3A_13 = arith.constant 0 : i32
      %dma_start3A_14 = tpu.memref_slice %arg2[%run_scoped3A, %dma_start3A_13, %mul3A_2] : memref<1x128x8192xf32, #tpu.memory_space<hbm>> -> memref<1x128x256xf32, #tpu.memory_space<hbm>>
      %dma_start3A_15 = tpu.memref_squeeze %dma_start3A_14 : memref<1x128x256xf32, #tpu.memory_space<hbm>> -> memref<128x256xf32, #tpu.memory_space<hbm>>
      tpu.enqueue_dma source(%dma_start3A_15 : memref<128x256xf32, #tpu.memory_space<hbm>>) target(%arg4 : memref<128x256xf32, #tpu.memory_space<vmem>>) target_semaphore(%run_scoped3A_10 : memref<!tpu.dma_semaphore, #tpu.memory_space<semaphore_mem>>)
      %dma_wait3A = arith.constant 0 : i32
      %dma_wait3A_16 = tpu.memref_slice %arg2[%run_scoped3A, %dma_wait3A, %mul3A_2] : memref<1x128x8192xf32, #tpu.memory_space<hbm>> -> memref<1x128x256xf32, #tpu.memory_space<hbm>>
      %dma_wait3A_17 = tpu.memref_squeeze %dma_wait3A_16 : memref<1x128x256xf32, #tpu.memory_space<hbm>> -> memref<128x256xf32, #tpu.memory_space<hbm>>
      %dma_wait3A_18 = arith.constant 0 : i32
      %dma_wait3A_19 = tpu.memref_slice %arg2[%run_scoped3A, %dma_wait3A_18, %mul3A_2] : memref<1x128x8192xf32, #tpu.memory_space<hbm>> -> memref<1x128x256xf32, #tpu.memory_space<hbm>>
      %dma_wait3A_20 = tpu.memref_squeeze %dma_wait3A_19 : memref<1x128x256xf32, #tpu.memory_space<hbm>> -> memref<128x256xf32, #tpu.memory_space<hbm>>
      tpu.wait_dma2 semaphore(%run_scoped3A_10 : memref<!tpu.dma_semaphore, #tpu.memory_space<semaphore_mem>>) src(%dma_wait3A_20 : memref<128x256xf32, #tpu.memory_space<hbm>>) dst(%arg4 : memref<128x256xf32, #tpu.memory_space<vmem>>)
      tpu.yield
    }) : () -> ()
    %scan3A = arith.constant 0 : i32
    %scan3A_3 = arith.constant 0 : i32
    %scan3A_4 = arith.constant 16 : i32
    %scan3A_5 = arith.addi %scan3A_3, %scan3A_4 : i32
    %scan3A_6 = arith.constant 1 : i32
    %scan3A_7 = scf.for %scan3A_10 = %scan3A_3 to %scan3A_5 step %scan3A_6 iter_args(%scan3A_11 = %scan3A) -> (i32)  : i32 {
      %mul3A_12 = arith.constant 16 : i32
      %mul3A_13 = arith.muli %scan3A_10, %mul3A_12 : i32
      %broadcast_in_dim3A = arith.constant -3.400000e+38 : f32
      %broadcast_in_dim3A_14 = vector.broadcast %broadcast_in_dim3A : f32 to vector<16xf32>
      %scan3A_15 = arith.constant 0 : i32
      %scan3A_16 = arith.constant 128 : i32
      %scan3A_17 = arith.addi %scan3A_15, %scan3A_16 : i32
      %scan3A_18 = arith.constant 1 : i32
      %scan3A_19 = scf.for %scan3A_44 = %scan3A_15 to %scan3A_17 step %scan3A_18 iter_args(%scan3A_45 = %broadcast_in_dim3A_14) -> (vector<16xf32>)  : i32 {
        %get3A = arith.index_cast %scan3A_44 : i32 to index
        %get3A_46 = arith.index_cast %mul3A_13 : i32 to index
        %get3A_47 = tpu.vector_load %arg4[%get3A, %get3A_46] {strides = array<i32>} : memref<128x256xf32, #tpu.memory_space<vmem>>, vector<1x16xf32>,
        %get3A_48 = vector.shape_cast %get3A_47 : vector<1x16xf32> to vector<16xf32>
        %max3A_49 = arith.maximumf %scan3A_45, %get3A_48 : vector<16xf32>
        scf.yield %max3A_49 : vector<16xf32>
      }
      %scan3A_20 = arith.constant 128 : i32
      %sub3A = arith.constant 1.000000e+00 : f32
      %sub3A_21 = vector.broadcast %sub3A : f32 to vector<16xf32>
      %sub3A_22 = arith.subf %scan3A_19, %sub3A_21 : vector<16xf32>
      %scan3A_23 = arith.constant 0 : i32
      %scan3A_24 = arith.constant 9 : i32
      %scan3A_25 = arith.addi %scan3A_23, %scan3A_24 : i32
      %scan3A_26 = arith.constant 1 : i32
      %scan3A_27:2 = scf.for %scan3A_44 = %scan3A_23 to %scan3A_25 step %scan3A_26 iter_args(%scan3A_45 = %sub3A_22, %scan3A_46 = %scan3A_19) -> (vector<16xf32>, vector<16xf32>)  : i32 {
        %add3A_47 = arith.addf %scan3A_45, %scan3A_46 : vector<16xf32>
        %mul3A_48 = arith.constant 5.000000e-01 : f32
        %mul3A_49 = vector.broadcast %mul3A_48 : f32 to vector<16xf32>
        %mul3A_50 = arith.mulf %mul3A_49, %add3A_47 : vector<16xf32>
        %broadcast_in_dim3A_51 = arith.constant 0.000000e+00 : f32
        %broadcast_in_dim3A_52 = vector.broadcast %broadcast_in_dim3A_51 : f32 to vector<16xf32>
        %scan3A_53 = arith.constant 0 : i32
        %scan3A_54 = arith.constant 128 : i32
        %scan3A_55 = arith.addi %scan3A_53, %scan3A_54 : i32
        %scan3A_56 = arith.constant 1 : i32
        %scan3A_57 = scf.for %scan3A_66 = %scan3A_53 to %scan3A_55 step %scan3A_56 iter_args(%scan3A_67 = %broadcast_in_dim3A_52) -> (vector<16xf32>)  : i32 {
          %get3A = arith.index_cast %scan3A_66 : i32 to index
          %get3A_68 = arith.index_cast %mul3A_13 : i32 to index
          %get3A_69 = tpu.vector_load %arg4[%get3A, %get3A_68] {strides = array<i32>} : memref<128x256xf32, #tpu.memory_space<vmem>>, vector<1x16xf32>,
          %get3A_70 = vector.shape_cast %get3A_69 : vector<1x16xf32> to vector<16xf32>
          %max3A_71 = arith.maximumf %get3A_70, %mul3A_50 : vector<16xf32>
          %add3A_72 = arith.addf %scan3A_67, %max3A_71 : vector<16xf32>
          scf.yield %add3A_72 : vector<16xf32>
        }
        %scan3A_58 = arith.constant 128 : i32
        %mul3A_59 = arith.constant 1.280000e+02 : f32
        %mul3A_60 = vector.broadcast %mul3A_59 : f32 to vector<16xf32>
        %mul3A_61 = arith.mulf %mul3A_60, %mul3A_50 : vector<16xf32>
        %add3A_62 = arith.constant 1.000000e+00 : f32
        %add3A_63 = vector.broadcast %add3A_62 : f32 to vector<16xf32>
        %add3A_64 = arith.addf %add3A_63, %mul3A_61 : vector<16xf32>
        %ge3A = arith.cmpf oge, %scan3A_57, %add3A_64 : vector<16xf32>
        %select_n3A = arith.select %ge3A, %mul3A_50, %scan3A_45 : vector<16xi1>, vector<16xf32>
        %select_n3A_65 = arith.select %ge3A, %scan3A_46, %mul3A_50 : vector<16xi1>, vector<16xf32>
        scf.yield %select_n3A, %select_n3A_65 : vector<16xf32>, vector<16xf32>
      }
      %scan3A_28 = arith.constant 9 : i32
      %broadcast_in_dim3A_29 = arith.constant 0.000000e+00 : f32
      %broadcast_in_dim3A_30 = vector.broadcast %broadcast_in_dim3A_29 : f32 to vector<16xf32>
      %scan3A_31 = arith.constant 0 : i32
      %scan3A_32 = arith.constant 128 : i32
      %scan3A_33 = arith.addi %scan3A_31, %scan3A_32 : i32
      %scan3A_34 = arith.constant 1 : i32
      %scan3A_35:2 = scf.for %scan3A_44 = %scan3A_31 to %scan3A_33 step %scan3A_34 iter_args(%scan3A_45 = %broadcast_in_dim3A_30, %scan3A_46 = %broadcast_in_dim3A_30) -> (vector<16xf32>, vector<16xf32>)  : i32 {
        %get3A = arith.index_cast %scan3A_44 : i32 to index
        %get3A_47 = arith.index_cast %mul3A_13 : i32 to index
        %get3A_48 = tpu.vector_load %arg4[%get3A, %get3A_47] {strides = array<i32>} : memref<128x256xf32, #tpu.memory_space<vmem>>, vector<1x16xf32>,
        %get3A_49 = vector.shape_cast %get3A_48 : vector<1x16xf32> to vector<16xf32>
        %gt3A = arith.cmpf ogt, %get3A_49, %scan3A_27#0 : vector<16xf32>
        %jit3A = arith.constant 1.000000e+00 : f32
        %jit3A_50 = arith.constant 0.000000e+00 : f32
        %broadcast_in_dim3A_51 = vector.broadcast %jit3A : f32 to vector<16xf32>
        %broadcast_in_dim3A_52 = vector.broadcast %jit3A_50 : f32 to vector<16xf32>
        %select_n3A = arith.select %gt3A, %broadcast_in_dim3A_51, %broadcast_in_dim3A_52 : vector<16xi1>, vector<16xf32>
        %add3A_53 = arith.addf %scan3A_45, %select_n3A : vector<16xf32>
        %jit3A_54 = arith.constant 0.000000e+00 : f32
        %broadcast_in_dim3A_55 = vector.broadcast %jit3A_54 : f32 to vector<16xf32>
        %select_n3A_56 = arith.select %gt3A, %get3A_49, %broadcast_in_dim3A_55 : vector<16xi1>, vector<16xf32>
        %add3A_57 = arith.addf %scan3A_46, %select_n3A_56 : vector<16xf32>
        scf.yield %add3A_53, %add3A_57 : vector<16xf32>, vector<16xf32>
      }
      %scan3A_36 = arith.constant 128 : i32
      %sub3A_37 = arith.constant 1.000000e+00 : f32
      %sub3A_38 = vector.broadcast %sub3A_37 : f32 to vector<16xf32>
      %sub3A_39 = arith.subf %scan3A_35#1, %sub3A_38 : vector<16xf32>
      %div3A = arith.divf %sub3A_39, %scan3A_35#0 : vector<16xf32>
      %max3A = arith.maximumf %scan3A_27#0, %div3A : vector<16xf32>
      %min3A = arith.minimumf %scan3A_27#1, %max3A : vector<16xf32>
      %swap3A = arith.index_cast %mul3A_13 : i32 to index
      %swap3A_40 = tpu.vector_load %arg5[%swap3A] {strides = array<i32>} : memref<256xf32, #tpu.memory_space<vmem>>, vector<16xf32>,
      %swap3A_41 = vector.shape_cast %swap3A_40 : vector<16xf32> to vector<16xf32>
      %swap3A_42 = vector.shape_cast %min3A : vector<16xf32> to vector<16xf32>
      tpu.vector_store %arg5[%swap3A], %swap3A_42 {strides = array<i32>} : memref<256xf32, #tpu.memory_space<vmem>>, vector<16xf32>,
      %scan3A_43 = arith.constant 0 : i32
      scf.yield %scan3A_43 : i32
    }
    %scan3A_8 = arith.constant 16 : i32
    %run_scoped3A_9 = arith.constant 0 : i32
    "tpu.region"() ({
      %run_scoped3A_10 = tpu.sem_alloc : memref<!tpu.dma_semaphore, #tpu.memory_space<semaphore_mem>>
      %dma_start3A = tpu.memref_slice %arg3[%run_scoped3A_9, %mul3A_2] : memref<1x8192xf32, #tpu.memory_space<hbm>> -> memref<1x256xf32, #tpu.memory_space<hbm>>
      %dma_start3A_11 = tpu.memref_squeeze %dma_start3A : memref<1x256xf32, #tpu.memory_space<hbm>> -> memref<256xf32, #tpu.memory_space<hbm>>
      %dma_start3A_12 = tpu.memref_slice %arg3[%run_scoped3A_9, %mul3A_2] : memref<1x8192xf32, #tpu.memory_space<hbm>> -> memref<1x256xf32, #tpu.memory_space<hbm>>
      %dma_start3A_13 = tpu.memref_squeeze %dma_start3A_12 : memref<1x256xf32, #tpu.memory_space<hbm>> -> memref<256xf32, #tpu.memory_space<hbm>>
      tpu.enqueue_dma source(%arg5 : memref<256xf32, #tpu.memory_space<vmem>>) target(%dma_start3A_13 : memref<256xf32, #tpu.memory_space<hbm>>) target_semaphore(%run_scoped3A_10 : memref<!tpu.dma_semaphore, #tpu.memory_space<semaphore_mem>>)
      %dma_wait3A = tpu.memref_slice %arg3[%run_scoped3A_9, %mul3A_2] : memref<1x8192xf32, #tpu.memory_space<hbm>> -> memref<1x256xf32, #tpu.memory_space<hbm>>
      %dma_wait3A_14 = tpu.memref_squeeze %dma_wait3A : memref<1x256xf32, #tpu.memory_space<hbm>> -> memref<256xf32, #tpu.memory_space<hbm>>
      %dma_wait3A_15 = tpu.memref_slice %arg3[%run_scoped3A_9, %mul3A_2] : memref<1x8192xf32, #tpu.memory_space<hbm>> -> memref<1x256xf32, #tpu.memory_space<hbm>>
      %dma_wait3A_16 = tpu.memref_squeeze %dma_wait3A_15 : memref<1x256xf32, #tpu.memory_space<hbm>> -> memref<256xf32, #tpu.memory_space<hbm>>
      tpu.wait_dma2 semaphore(%run_scoped3A_10 : memref<!tpu.dma_semaphore, #tpu.memory_space<semaphore_mem>>) src(%arg5 : memref<256xf32, #tpu.memory_space<vmem>>) dst(%dma_wait3A_16 : memref<256xf32, #tpu.memory_space<hbm>>)
      tpu.yield
    }) : () -> ()
    return
  }
}

module attributes {stable_mosaic.version = 14 : i64} {
  func.func @_body(%arg0: i32, %arg1: i32, %arg2: memref<1x128x2048xf32, #tpu.memory_space<vmem>>, %arg3: memref<1x128x2048xf32, #tpu.memory_space<vmem>>) attributes {dimension_semantics = [#tpu.dimension_semantics<arbitrary>, #tpu.dimension_semantics<arbitrary>], iteration_bounds = array<i64: 15, 4>, scalar_prefetch = 0 : i64, scratch_operands = 0 : i64, tpu.core_type = #tpu.core_type<tc>, window_params = [{transform_indices = @transform_0, window_bounds = array<i64: 1, 128, 2048>}, {transform_indices = @transform_1, window_bounds = array<i64: 1, 128, 2048>}]} {
    %get3A = arith.constant 0 : index
    %get3A_0 = arith.constant 0 : index
    %get3A_1 = arith.constant 0 : index
    %get3A_2 = vector.load %arg2[%get3A, %get3A_0, %get3A_1] : memref<1x128x2048xf32, #tpu.memory_space<vmem>>, vector<1x128x2048xf32>
    %get3A_3 = vector.shape_cast %get3A_2 : vector<1x128x2048xf32> to vector<128x2048xf32>
    %reduce_max3A = arith.constant dense<0xFF800000> : vector<2048xf32>
    %reduce_max3A_4 = vector.multi_reduction <maximumf>, %get3A_3, %reduce_max3A [0] : vector<128x2048xf32> to vector<2048xf32>
    %broadcast_in_dim3A = vector.shape_cast %reduce_max3A_4 : vector<2048xf32> to vector<1x2048xf32>
    %sub3A = arith.constant 1.000000e+00 : f32
    %sub3A_5 = vector.broadcast %sub3A : f32 to vector<1x2048xf32>
    %sub3A_6 = arith.subf %broadcast_in_dim3A, %sub3A_5 : vector<1x2048xf32>
    %add3A = arith.addf %sub3A_6, %broadcast_in_dim3A : vector<1x2048xf32>
    %mul3A = arith.constant 5.000000e-01 : f32
    %mul3A_7 = vector.broadcast %mul3A : f32 to vector<1x2048xf32>
    %mul3A_8 = arith.mulf %mul3A_7, %add3A : vector<1x2048xf32>
    %max3A = vector.broadcast %mul3A_8 : vector<1x2048xf32> to vector<128x2048xf32>
    %max3A_9 = arith.maximumf %get3A_3, %max3A : vector<128x2048xf32>
    %reduce_sum3A = arith.constant dense<0.000000e+00> : vector<2048xf32>
    %reduce_sum3A_10 = vector.multi_reduction <add>, %max3A_9, %reduce_sum3A [0] : vector<128x2048xf32> to vector<2048xf32>
    %broadcast_in_dim3A_11 = vector.shape_cast %reduce_sum3A_10 : vector<2048xf32> to vector<1x2048xf32>
    %mul3A_12 = arith.constant 1.280000e+02 : f32
    %mul3A_13 = vector.broadcast %mul3A_12 : f32 to vector<1x2048xf32>
    %mul3A_14 = arith.mulf %mul3A_13, %mul3A_8 : vector<1x2048xf32>
    %add3A_15 = arith.constant 1.000000e+00 : f32
    %add3A_16 = vector.broadcast %add3A_15 : f32 to vector<1x2048xf32>
    %add3A_17 = arith.addf %add3A_16, %mul3A_14 : vector<1x2048xf32>
    %ge3A = arith.cmpf oge, %broadcast_in_dim3A_11, %add3A_17 : vector<1x2048xf32>
    %select_n3A = arith.select %ge3A, %mul3A_8, %sub3A_6 : vector<1x2048xi1>, vector<1x2048xf32>
    %select_n3A_18 = arith.select %ge3A, %broadcast_in_dim3A, %mul3A_8 : vector<1x2048xi1>, vector<1x2048xf32>
    %add3A_19 = arith.addf %select_n3A, %select_n3A_18 : vector<1x2048xf32>
    %mul3A_20 = arith.constant 5.000000e-01 : f32
    %mul3A_21 = vector.broadcast %mul3A_20 : f32 to vector<1x2048xf32>
    %mul3A_22 = arith.mulf %mul3A_21, %add3A_19 : vector<1x2048xf32>
    %max3A_23 = vector.broadcast %mul3A_22 : vector<1x2048xf32> to vector<128x2048xf32>
    %max3A_24 = arith.maximumf %get3A_3, %max3A_23 : vector<128x2048xf32>
    %reduce_sum3A_25 = arith.constant dense<0.000000e+00> : vector<2048xf32>
    %reduce_sum3A_26 = vector.multi_reduction <add>, %max3A_24, %reduce_sum3A_25 [0] : vector<128x2048xf32> to vector<2048xf32>
    %broadcast_in_dim3A_27 = vector.shape_cast %reduce_sum3A_26 : vector<2048xf32> to vector<1x2048xf32>
    %mul3A_28 = arith.constant 1.280000e+02 : f32
    %mul3A_29 = vector.broadcast %mul3A_28 : f32 to vector<1x2048xf32>
    %mul3A_30 = arith.mulf %mul3A_29, %mul3A_22 : vector<1x2048xf32>
    %add3A_31 = arith.constant 1.000000e+00 : f32
    %add3A_32 = vector.broadcast %add3A_31 : f32 to vector<1x2048xf32>
    %add3A_33 = arith.addf %add3A_32, %mul3A_30 : vector<1x2048xf32>
    %ge3A_34 = arith.cmpf oge, %broadcast_in_dim3A_27, %add3A_33 : vector<1x2048xf32>
    %select_n3A_35 = arith.select %ge3A_34, %mul3A_22, %select_n3A : vector<1x2048xi1>, vector<1x2048xf32>
    %select_n3A_36 = arith.select %ge3A_34, %select_n3A_18, %mul3A_22 : vector<1x2048xi1>, vector<1x2048xf32>
    %add3A_37 = arith.addf %select_n3A_35, %select_n3A_36 : vector<1x2048xf32>
    %mul3A_38 = arith.constant 5.000000e-01 : f32
    %mul3A_39 = vector.broadcast %mul3A_38 : f32 to vector<1x2048xf32>
    %mul3A_40 = arith.mulf %mul3A_39, %add3A_37 : vector<1x2048xf32>
    %max3A_41 = vector.broadcast %mul3A_40 : vector<1x2048xf32> to vector<128x2048xf32>
    %max3A_42 = arith.maximumf %get3A_3, %max3A_41 : vector<128x2048xf32>
    %reduce_sum3A_43 = arith.constant dense<0.000000e+00> : vector<2048xf32>
    %reduce_sum3A_44 = vector.multi_reduction <add>, %max3A_42, %reduce_sum3A_43 [0] : vector<128x2048xf32> to vector<2048xf32>
    %broadcast_in_dim3A_45 = vector.shape_cast %reduce_sum3A_44 : vector<2048xf32> to vector<1x2048xf32>
    %mul3A_46 = arith.constant 1.280000e+02 : f32
    %mul3A_47 = vector.broadcast %mul3A_46 : f32 to vector<1x2048xf32>
    %mul3A_48 = arith.mulf %mul3A_47, %mul3A_40 : vector<1x2048xf32>
    %add3A_49 = arith.constant 1.000000e+00 : f32
    %add3A_50 = vector.broadcast %add3A_49 : f32 to vector<1x2048xf32>
    %add3A_51 = arith.addf %add3A_50, %mul3A_48 : vector<1x2048xf32>
    %ge3A_52 = arith.cmpf oge, %broadcast_in_dim3A_45, %add3A_51 : vector<1x2048xf32>
    %select_n3A_53 = arith.select %ge3A_52, %mul3A_40, %select_n3A_35 : vector<1x2048xi1>, vector<1x2048xf32>
    %select_n3A_54 = arith.select %ge3A_52, %select_n3A_36, %mul3A_40 : vector<1x2048xi1>, vector<1x2048xf32>
    %add3A_55 = arith.addf %select_n3A_53, %select_n3A_54 : vector<1x2048xf32>
    %mul3A_56 = arith.constant 5.000000e-01 : f32
    %mul3A_57 = vector.broadcast %mul3A_56 : f32 to vector<1x2048xf32>
    %mul3A_58 = arith.mulf %mul3A_57, %add3A_55 : vector<1x2048xf32>
    %max3A_59 = vector.broadcast %mul3A_58 : vector<1x2048xf32> to vector<128x2048xf32>
    %max3A_60 = arith.maximumf %get3A_3, %max3A_59 : vector<128x2048xf32>
    %reduce_sum3A_61 = arith.constant dense<0.000000e+00> : vector<2048xf32>
    %reduce_sum3A_62 = vector.multi_reduction <add>, %max3A_60, %reduce_sum3A_61 [0] : vector<128x2048xf32> to vector<2048xf32>
    %broadcast_in_dim3A_63 = vector.shape_cast %reduce_sum3A_62 : vector<2048xf32> to vector<1x2048xf32>
    %mul3A_64 = arith.constant 1.280000e+02 : f32
    %mul3A_65 = vector.broadcast %mul3A_64 : f32 to vector<1x2048xf32>
    %mul3A_66 = arith.mulf %mul3A_65, %mul3A_58 : vector<1x2048xf32>
    %add3A_67 = arith.constant 1.000000e+00 : f32
    %add3A_68 = vector.broadcast %add3A_67 : f32 to vector<1x2048xf32>
    %add3A_69 = arith.addf %add3A_68, %mul3A_66 : vector<1x2048xf32>
    %ge3A_70 = arith.cmpf oge, %broadcast_in_dim3A_63, %add3A_69 : vector<1x2048xf32>
    %select_n3A_71 = arith.select %ge3A_70, %mul3A_58, %select_n3A_53 : vector<1x2048xi1>, vector<1x2048xf32>
    %select_n3A_72 = arith.select %ge3A_70, %select_n3A_54, %mul3A_58 : vector<1x2048xi1>, vector<1x2048xf32>
    %add3A_73 = arith.addf %select_n3A_71, %select_n3A_72 : vector<1x2048xf32>
    %mul3A_74 = arith.constant 5.000000e-01 : f32
    %mul3A_75 = vector.broadcast %mul3A_74 : f32 to vector<1x2048xf32>
    %mul3A_76 = arith.mulf %mul3A_75, %add3A_73 : vector<1x2048xf32>
    %max3A_77 = vector.broadcast %mul3A_76 : vector<1x2048xf32> to vector<128x2048xf32>
    %max3A_78 = arith.maximumf %get3A_3, %max3A_77 : vector<128x2048xf32>
    %reduce_sum3A_79 = arith.constant dense<0.000000e+00> : vector<2048xf32>
    %reduce_sum3A_80 = vector.multi_reduction <add>, %max3A_78, %reduce_sum3A_79 [0] : vector<128x2048xf32> to vector<2048xf32>
    %broadcast_in_dim3A_81 = vector.shape_cast %reduce_sum3A_80 : vector<2048xf32> to vector<1x2048xf32>
    %mul3A_82 = arith.constant 1.280000e+02 : f32
    %mul3A_83 = vector.broadcast %mul3A_82 : f32 to vector<1x2048xf32>
    %mul3A_84 = arith.mulf %mul3A_83, %mul3A_76 : vector<1x2048xf32>
    %add3A_85 = arith.constant 1.000000e+00 : f32
    %add3A_86 = vector.broadcast %add3A_85 : f32 to vector<1x2048xf32>
    %add3A_87 = arith.addf %add3A_86, %mul3A_84 : vector<1x2048xf32>
    %ge3A_88 = arith.cmpf oge, %broadcast_in_dim3A_81, %add3A_87 : vector<1x2048xf32>
    %select_n3A_89 = arith.select %ge3A_88, %mul3A_76, %select_n3A_71 : vector<1x2048xi1>, vector<1x2048xf32>
    %select_n3A_90 = arith.select %ge3A_88, %select_n3A_72, %mul3A_76 : vector<1x2048xi1>, vector<1x2048xf32>
    %add3A_91 = arith.addf %select_n3A_89, %select_n3A_90 : vector<1x2048xf32>
    %mul3A_92 = arith.constant 5.000000e-01 : f32
    %mul3A_93 = vector.broadcast %mul3A_92 : f32 to vector<1x2048xf32>
    %mul3A_94 = arith.mulf %mul3A_93, %add3A_91 : vector<1x2048xf32>
    %max3A_95 = vector.broadcast %mul3A_94 : vector<1x2048xf32> to vector<128x2048xf32>
    %max3A_96 = arith.maximumf %get3A_3, %max3A_95 : vector<128x2048xf32>
    %reduce_sum3A_97 = arith.constant dense<0.000000e+00> : vector<2048xf32>
    %reduce_sum3A_98 = vector.multi_reduction <add>, %max3A_96, %reduce_sum3A_97 [0] : vector<128x2048xf32> to vector<2048xf32>
    %broadcast_in_dim3A_99 = vector.shape_cast %reduce_sum3A_98 : vector<2048xf32> to vector<1x2048xf32>
    %mul3A_100 = arith.constant 1.280000e+02 : f32
    %mul3A_101 = vector.broadcast %mul3A_100 : f32 to vector<1x2048xf32>
    %mul3A_102 = arith.mulf %mul3A_101, %mul3A_94 : vector<1x2048xf32>
    %add3A_103 = arith.constant 1.000000e+00 : f32
    %add3A_104 = vector.broadcast %add3A_103 : f32 to vector<1x2048xf32>
    %add3A_105 = arith.addf %add3A_104, %mul3A_102 : vector<1x2048xf32>
    %ge3A_106 = arith.cmpf oge, %broadcast_in_dim3A_99, %add3A_105 : vector<1x2048xf32>
    %select_n3A_107 = arith.select %ge3A_106, %mul3A_94, %select_n3A_89 : vector<1x2048xi1>, vector<1x2048xf32>
    %select_n3A_108 = arith.select %ge3A_106, %select_n3A_90, %mul3A_94 : vector<1x2048xi1>, vector<1x2048xf32>
    %add3A_109 = arith.addf %select_n3A_107, %select_n3A_108 : vector<1x2048xf32>
    %mul3A_110 = arith.constant 5.000000e-01 : f32
    %mul3A_111 = vector.broadcast %mul3A_110 : f32 to vector<1x2048xf32>
    %mul3A_112 = arith.mulf %mul3A_111, %add3A_109 : vector<1x2048xf32>
    %max3A_113 = vector.broadcast %mul3A_112 : vector<1x2048xf32> to vector<128x2048xf32>
    %max3A_114 = arith.maximumf %get3A_3, %max3A_113 : vector<128x2048xf32>
    %reduce_sum3A_115 = arith.constant dense<0.000000e+00> : vector<2048xf32>
    %reduce_sum3A_116 = vector.multi_reduction <add>, %max3A_114, %reduce_sum3A_115 [0] : vector<128x2048xf32> to vector<2048xf32>
    %broadcast_in_dim3A_117 = vector.shape_cast %reduce_sum3A_116 : vector<2048xf32> to vector<1x2048xf32>
    %mul3A_118 = arith.constant 1.280000e+02 : f32
    %mul3A_119 = vector.broadcast %mul3A_118 : f32 to vector<1x2048xf32>
    %mul3A_120 = arith.mulf %mul3A_119, %mul3A_112 : vector<1x2048xf32>
    %add3A_121 = arith.constant 1.000000e+00 : f32
    %add3A_122 = vector.broadcast %add3A_121 : f32 to vector<1x2048xf32>
    %add3A_123 = arith.addf %add3A_122, %mul3A_120 : vector<1x2048xf32>
    %ge3A_124 = arith.cmpf oge, %broadcast_in_dim3A_117, %add3A_123 : vector<1x2048xf32>
    %select_n3A_125 = arith.select %ge3A_124, %mul3A_112, %select_n3A_107 : vector<1x2048xi1>, vector<1x2048xf32>
    %select_n3A_126 = arith.select %ge3A_124, %select_n3A_108, %mul3A_112 : vector<1x2048xi1>, vector<1x2048xf32>
    %add3A_127 = arith.addf %select_n3A_125, %select_n3A_126 : vector<1x2048xf32>
    %mul3A_128 = arith.constant 5.000000e-01 : f32
    %mul3A_129 = vector.broadcast %mul3A_128 : f32 to vector<1x2048xf32>
    %mul3A_130 = arith.mulf %mul3A_129, %add3A_127 : vector<1x2048xf32>
    %max3A_131 = vector.broadcast %mul3A_130 : vector<1x2048xf32> to vector<128x2048xf32>
    %max3A_132 = arith.maximumf %get3A_3, %max3A_131 : vector<128x2048xf32>
    %reduce_sum3A_133 = arith.constant dense<0.000000e+00> : vector<2048xf32>
    %reduce_sum3A_134 = vector.multi_reduction <add>, %max3A_132, %reduce_sum3A_133 [0] : vector<128x2048xf32> to vector<2048xf32>
    %broadcast_in_dim3A_135 = vector.shape_cast %reduce_sum3A_134 : vector<2048xf32> to vector<1x2048xf32>
    %mul3A_136 = arith.constant 1.280000e+02 : f32
    %mul3A_137 = vector.broadcast %mul3A_136 : f32 to vector<1x2048xf32>
    %mul3A_138 = arith.mulf %mul3A_137, %mul3A_130 : vector<1x2048xf32>
    %add3A_139 = arith.constant 1.000000e+00 : f32
    %add3A_140 = vector.broadcast %add3A_139 : f32 to vector<1x2048xf32>
    %add3A_141 = arith.addf %add3A_140, %mul3A_138 : vector<1x2048xf32>
    %ge3A_142 = arith.cmpf oge, %broadcast_in_dim3A_135, %add3A_141 : vector<1x2048xf32>
    %select_n3A_143 = arith.select %ge3A_142, %mul3A_130, %select_n3A_125 : vector<1x2048xi1>, vector<1x2048xf32>
    %select_n3A_144 = arith.select %ge3A_142, %select_n3A_126, %mul3A_130 : vector<1x2048xi1>, vector<1x2048xf32>
    %add3A_145 = arith.addf %select_n3A_143, %select_n3A_144 : vector<1x2048xf32>
    %mul3A_146 = arith.constant 5.000000e-01 : f32
    %mul3A_147 = vector.broadcast %mul3A_146 : f32 to vector<1x2048xf32>
    %mul3A_148 = arith.mulf %mul3A_147, %add3A_145 : vector<1x2048xf32>
    %max3A_149 = vector.broadcast %mul3A_148 : vector<1x2048xf32> to vector<128x2048xf32>
    %max3A_150 = arith.maximumf %get3A_3, %max3A_149 : vector<128x2048xf32>
    %reduce_sum3A_151 = arith.constant dense<0.000000e+00> : vector<2048xf32>
    %reduce_sum3A_152 = vector.multi_reduction <add>, %max3A_150, %reduce_sum3A_151 [0] : vector<128x2048xf32> to vector<2048xf32>
    %broadcast_in_dim3A_153 = vector.shape_cast %reduce_sum3A_152 : vector<2048xf32> to vector<1x2048xf32>
    %mul3A_154 = arith.constant 1.280000e+02 : f32
    %mul3A_155 = vector.broadcast %mul3A_154 : f32 to vector<1x2048xf32>
    %mul3A_156 = arith.mulf %mul3A_155, %mul3A_148 : vector<1x2048xf32>
    %add3A_157 = arith.constant 1.000000e+00 : f32
    %add3A_158 = vector.broadcast %add3A_157 : f32 to vector<1x2048xf32>
    %add3A_159 = arith.addf %add3A_158, %mul3A_156 : vector<1x2048xf32>
    %ge3A_160 = arith.cmpf oge, %broadcast_in_dim3A_153, %add3A_159 : vector<1x2048xf32>
    %select_n3A_161 = arith.select %ge3A_160, %mul3A_148, %select_n3A_143 : vector<1x2048xi1>, vector<1x2048xf32>
    %select_n3A_162 = arith.select %ge3A_160, %select_n3A_144, %mul3A_148 : vector<1x2048xi1>, vector<1x2048xf32>
    %gt3A = vector.broadcast %select_n3A_161 : vector<1x2048xf32> to vector<128x2048xf32>
    %gt3A_163 = arith.cmpf ogt, %get3A_3, %gt3A : vector<128x2048xf32>
    %convert_element_type3A = arith.extui %gt3A_163 : vector<128x2048xi1> to vector<128x2048xi32>
    %convert_element_type3A_164 = arith.sitofp %convert_element_type3A : vector<128x2048xi32> to vector<128x2048xf32>
    %reduce_sum3A_165 = arith.constant dense<0.000000e+00> : vector<2048xf32>
    %reduce_sum3A_166 = vector.multi_reduction <add>, %convert_element_type3A_164, %reduce_sum3A_165 [0] : vector<128x2048xf32> to vector<2048xf32>
    %broadcast_in_dim3A_167 = vector.shape_cast %reduce_sum3A_166 : vector<2048xf32> to vector<1x2048xf32>
    %mul3A_168 = arith.mulf %get3A_3, %convert_element_type3A_164 : vector<128x2048xf32>
    %reduce_sum3A_169 = arith.constant dense<0.000000e+00> : vector<2048xf32>
    %reduce_sum3A_170 = vector.multi_reduction <add>, %mul3A_168, %reduce_sum3A_169 [0] : vector<128x2048xf32> to vector<2048xf32>
    %broadcast_in_dim3A_171 = vector.shape_cast %reduce_sum3A_170 : vector<2048xf32> to vector<1x2048xf32>
    %sub3A_172 = arith.constant 1.000000e+00 : f32
    %sub3A_173 = vector.broadcast %sub3A_172 : f32 to vector<1x2048xf32>
    %sub3A_174 = arith.subf %broadcast_in_dim3A_171, %sub3A_173 : vector<1x2048xf32>
    %div3A = arith.divf %sub3A_174, %broadcast_in_dim3A_167 : vector<1x2048xf32>
    %max3A_175 = arith.maximumf %select_n3A_161, %div3A : vector<1x2048xf32>
    %min3A = arith.minimumf %select_n3A_162, %max3A_175 : vector<1x2048xf32>
    %sub3A_176 = vector.broadcast %min3A : vector<1x2048xf32> to vector<128x2048xf32>
    %sub3A_177 = arith.subf %get3A_3, %sub3A_176 : vector<128x2048xf32>
    %max3A_178 = arith.constant 0.000000e+00 : f32
    %max3A_179 = vector.broadcast %max3A_178 : f32 to vector<128x2048xf32>
    %max3A_180 = arith.maximumf %sub3A_177, %max3A_179 : vector<128x2048xf32>
    %transpose3A = tpu.transpose %get3A_3, [1, 0] : vector<128x2048xf32> -> vector<2048x128xf32>
    %reshape3A = vector.shape_cast %transpose3A : vector<2048x128xf32> to vector<32x64x128xf32>
    %reduce_max3A_181 = arith.constant dense<0xFF800000> : vector<32x128xf32>
    %reduce_max3A_182 = vector.multi_reduction <maximumf>, %reshape3A, %reduce_max3A_181 [1] : vector<32x64x128xf32> to vector<32x128xf32>
    %broadcast_in_dim3A_183 = vector.shape_cast %reduce_max3A_182 : vector<32x128xf32> to vector<32x1x128xf32>
    %sub3A_184 = arith.constant 1.000000e+00 : f32
    %sub3A_185 = vector.broadcast %sub3A_184 : f32 to vector<32x1x128xf32>
    %sub3A_186 = arith.subf %broadcast_in_dim3A_183, %sub3A_185 : vector<32x1x128xf32>
    %add3A_187 = arith.addf %sub3A_186, %broadcast_in_dim3A_183 : vector<32x1x128xf32>
    %mul3A_188 = arith.constant 5.000000e-01 : f32
    %mul3A_189 = vector.broadcast %mul3A_188 : f32 to vector<32x1x128xf32>
    %mul3A_190 = arith.mulf %mul3A_189, %add3A_187 : vector<32x1x128xf32>
    %max3A_191 = vector.broadcast %mul3A_190 : vector<32x1x128xf32> to vector<32x64x128xf32>
    %max3A_192 = arith.maximumf %reshape3A, %max3A_191 : vector<32x64x128xf32>
    %reduce_sum3A_193 = arith.constant dense<0.000000e+00> : vector<32x128xf32>
    %reduce_sum3A_194 = vector.multi_reduction <add>, %max3A_192, %reduce_sum3A_193 [1] : vector<32x64x128xf32> to vector<32x128xf32>
    %broadcast_in_dim3A_195 = vector.shape_cast %reduce_sum3A_194 : vector<32x128xf32> to vector<32x1x128xf32>
    %mul3A_196 = arith.constant 6.400000e+01 : f32
    %mul3A_197 = vector.broadcast %mul3A_196 : f32 to vector<32x1x128xf32>
    %mul3A_198 = arith.mulf %mul3A_197, %mul3A_190 : vector<32x1x128xf32>
    %add3A_199 = arith.constant 1.000000e+00 : f32
    %add3A_200 = vector.broadcast %add3A_199 : f32 to vector<32x1x128xf32>
    %add3A_201 = arith.addf %add3A_200, %mul3A_198 : vector<32x1x128xf32>
    %ge3A_202 = arith.cmpf oge, %broadcast_in_dim3A_195, %add3A_201 : vector<32x1x128xf32>
    %select_n3A_203 = arith.select %ge3A_202, %mul3A_190, %sub3A_186 : vector<32x1x128xi1>, vector<32x1x128xf32>
    %select_n3A_204 = arith.select %ge3A_202, %broadcast_in_dim3A_183, %mul3A_190 : vector<32x1x128xi1>, vector<32x1x128xf32>
    %add3A_205 = arith.addf %select_n3A_203, %select_n3A_204 : vector<32x1x128xf32>
    %mul3A_206 = arith.constant 5.000000e-01 : f32
    %mul3A_207 = vector.broadcast %mul3A_206 : f32 to vector<32x1x128xf32>
    %mul3A_208 = arith.mulf %mul3A_207, %add3A_205 : vector<32x1x128xf32>
    %max3A_209 = vector.broadcast %mul3A_208 : vector<32x1x128xf32> to vector<32x64x128xf32>
    %max3A_210 = arith.maximumf %reshape3A, %max3A_209 : vector<32x64x128xf32>
    %reduce_sum3A_211 = arith.constant dense<0.000000e+00> : vector<32x128xf32>
    %reduce_sum3A_212 = vector.multi_reduction <add>, %max3A_210, %reduce_sum3A_211 [1] : vector<32x64x128xf32> to vector<32x128xf32>
    %broadcast_in_dim3A_213 = vector.shape_cast %reduce_sum3A_212 : vector<32x128xf32> to vector<32x1x128xf32>
    %mul3A_214 = arith.constant 6.400000e+01 : f32
    %mul3A_215 = vector.broadcast %mul3A_214 : f32 to vector<32x1x128xf32>
    %mul3A_216 = arith.mulf %mul3A_215, %mul3A_208 : vector<32x1x128xf32>
    %add3A_217 = arith.constant 1.000000e+00 : f32
    %add3A_218 = vector.broadcast %add3A_217 : f32 to vector<32x1x128xf32>
    %add3A_219 = arith.addf %add3A_218, %mul3A_216 : vector<32x1x128xf32>
    %ge3A_220 = arith.cmpf oge, %broadcast_in_dim3A_213, %add3A_219 : vector<32x1x128xf32>
    %select_n3A_221 = arith.select %ge3A_220, %mul3A_208, %select_n3A_203 : vector<32x1x128xi1>, vector<32x1x128xf32>
    %select_n3A_222 = arith.select %ge3A_220, %select_n3A_204, %mul3A_208 : vector<32x1x128xi1>, vector<32x1x128xf32>
    %add3A_223 = arith.addf %select_n3A_221, %select_n3A_222 : vector<32x1x128xf32>
    %mul3A_224 = arith.constant 5.000000e-01 : f32
    %mul3A_225 = vector.broadcast %mul3A_224 : f32 to vector<32x1x128xf32>
    %mul3A_226 = arith.mulf %mul3A_225, %add3A_223 : vector<32x1x128xf32>
    %max3A_227 = vector.broadcast %mul3A_226 : vector<32x1x128xf32> to vector<32x64x128xf32>
    %max3A_228 = arith.maximumf %reshape3A, %max3A_227 : vector<32x64x128xf32>
    %reduce_sum3A_229 = arith.constant dense<0.000000e+00> : vector<32x128xf32>
    %reduce_sum3A_230 = vector.multi_reduction <add>, %max3A_228, %reduce_sum3A_229 [1] : vector<32x64x128xf32> to vector<32x128xf32>
    %broadcast_in_dim3A_231 = vector.shape_cast %reduce_sum3A_230 : vector<32x128xf32> to vector<32x1x128xf32>
    %mul3A_232 = arith.constant 6.400000e+01 : f32
    %mul3A_233 = vector.broadcast %mul3A_232 : f32 to vector<32x1x128xf32>
    %mul3A_234 = arith.mulf %mul3A_233, %mul3A_226 : vector<32x1x128xf32>
    %add3A_235 = arith.constant 1.000000e+00 : f32
    %add3A_236 = vector.broadcast %add3A_235 : f32 to vector<32x1x128xf32>
    %add3A_237 = arith.addf %add3A_236, %mul3A_234 : vector<32x1x128xf32>
    %ge3A_238 = arith.cmpf oge, %broadcast_in_dim3A_231, %add3A_237 : vector<32x1x128xf32>
    %select_n3A_239 = arith.select %ge3A_238, %mul3A_226, %select_n3A_221 : vector<32x1x128xi1>, vector<32x1x128xf32>
    %select_n3A_240 = arith.select %ge3A_238, %select_n3A_222, %mul3A_226 : vector<32x1x128xi1>, vector<32x1x128xf32>
    %add3A_241 = arith.addf %select_n3A_239, %select_n3A_240 : vector<32x1x128xf32>
    %mul3A_242 = arith.constant 5.000000e-01 : f32
    %mul3A_243 = vector.broadcast %mul3A_242 : f32 to vector<32x1x128xf32>
    %mul3A_244 = arith.mulf %mul3A_243, %add3A_241 : vector<32x1x128xf32>
    %max3A_245 = vector.broadcast %mul3A_244 : vector<32x1x128xf32> to vector<32x64x128xf32>
    %max3A_246 = arith.maximumf %reshape3A, %max3A_245 : vector<32x64x128xf32>
    %reduce_sum3A_247 = arith.constant dense<0.000000e+00> : vector<32x128xf32>
    %reduce_sum3A_248 = vector.multi_reduction <add>, %max3A_246, %reduce_sum3A_247 [1] : vector<32x64x128xf32> to vector<32x128xf32>
    %broadcast_in_dim3A_249 = vector.shape_cast %reduce_sum3A_248 : vector<32x128xf32> to vector<32x1x128xf32>
    %mul3A_250 = arith.constant 6.400000e+01 : f32
    %mul3A_251 = vector.broadcast %mul3A_250 : f32 to vector<32x1x128xf32>
    %mul3A_252 = arith.mulf %mul3A_251, %mul3A_244 : vector<32x1x128xf32>
    %add3A_253 = arith.constant 1.000000e+00 : f32
    %add3A_254 = vector.broadcast %add3A_253 : f32 to vector<32x1x128xf32>
    %add3A_255 = arith.addf %add3A_254, %mul3A_252 : vector<32x1x128xf32>
    %ge3A_256 = arith.cmpf oge, %broadcast_in_dim3A_249, %add3A_255 : vector<32x1x128xf32>
    %select_n3A_257 = arith.select %ge3A_256, %mul3A_244, %select_n3A_239 : vector<32x1x128xi1>, vector<32x1x128xf32>
    %select_n3A_258 = arith.select %ge3A_256, %select_n3A_240, %mul3A_244 : vector<32x1x128xi1>, vector<32x1x128xf32>
    %add3A_259 = arith.addf %select_n3A_257, %select_n3A_258 : vector<32x1x128xf32>
    %mul3A_260 = arith.constant 5.000000e-01 : f32
    %mul3A_261 = vector.broadcast %mul3A_260 : f32 to vector<32x1x128xf32>
    %mul3A_262 = arith.mulf %mul3A_261, %add3A_259 : vector<32x1x128xf32>
    %max3A_263 = vector.broadcast %mul3A_262 : vector<32x1x128xf32> to vector<32x64x128xf32>
    %max3A_264 = arith.maximumf %reshape3A, %max3A_263 : vector<32x64x128xf32>
    %reduce_sum3A_265 = arith.constant dense<0.000000e+00> : vector<32x128xf32>
    %reduce_sum3A_266 = vector.multi_reduction <add>, %max3A_264, %reduce_sum3A_265 [1] : vector<32x64x128xf32> to vector<32x128xf32>
    %broadcast_in_dim3A_267 = vector.shape_cast %reduce_sum3A_266 : vector<32x128xf32> to vector<32x1x128xf32>
    %mul3A_268 = arith.constant 6.400000e+01 : f32
    %mul3A_269 = vector.broadcast %mul3A_268 : f32 to vector<32x1x128xf32>
    %mul3A_270 = arith.mulf %mul3A_269, %mul3A_262 : vector<32x1x128xf32>
    %add3A_271 = arith.constant 1.000000e+00 : f32
    %add3A_272 = vector.broadcast %add3A_271 : f32 to vector<32x1x128xf32>
    %add3A_273 = arith.addf %add3A_272, %mul3A_270 : vector<32x1x128xf32>
    %ge3A_274 = arith.cmpf oge, %broadcast_in_dim3A_267, %add3A_273 : vector<32x1x128xf32>
    %select_n3A_275 = arith.select %ge3A_274, %mul3A_262, %select_n3A_257 : vector<32x1x128xi1>, vector<32x1x128xf32>
    %select_n3A_276 = arith.select %ge3A_274, %select_n3A_258, %mul3A_262 : vector<32x1x128xi1>, vector<32x1x128xf32>
    %add3A_277 = arith.addf %select_n3A_275, %select_n3A_276 : vector<32x1x128xf32>
    %mul3A_278 = arith.constant 5.000000e-01 : f32
    %mul3A_279 = vector.broadcast %mul3A_278 : f32 to vector<32x1x128xf32>
    %mul3A_280 = arith.mulf %mul3A_279, %add3A_277 : vector<32x1x128xf32>
    %max3A_281 = vector.broadcast %mul3A_280 : vector<32x1x128xf32> to vector<32x64x128xf32>
    %max3A_282 = arith.maximumf %reshape3A, %max3A_281 : vector<32x64x128xf32>
    %reduce_sum3A_283 = arith.constant dense<0.000000e+00> : vector<32x128xf32>
    %reduce_sum3A_284 = vector.multi_reduction <add>, %max3A_282, %reduce_sum3A_283 [1] : vector<32x64x128xf32> to vector<32x128xf32>
    %broadcast_in_dim3A_285 = vector.shape_cast %reduce_sum3A_284 : vector<32x128xf32> to vector<32x1x128xf32>
    %mul3A_286 = arith.constant 6.400000e+01 : f32
    %mul3A_287 = vector.broadcast %mul3A_286 : f32 to vector<32x1x128xf32>
    %mul3A_288 = arith.mulf %mul3A_287, %mul3A_280 : vector<32x1x128xf32>
    %add3A_289 = arith.constant 1.000000e+00 : f32
    %add3A_290 = vector.broadcast %add3A_289 : f32 to vector<32x1x128xf32>
    %add3A_291 = arith.addf %add3A_290, %mul3A_288 : vector<32x1x128xf32>
    %ge3A_292 = arith.cmpf oge, %broadcast_in_dim3A_285, %add3A_291 : vector<32x1x128xf32>
    %select_n3A_293 = arith.select %ge3A_292, %mul3A_280, %select_n3A_275 : vector<32x1x128xi1>, vector<32x1x128xf32>
    %select_n3A_294 = arith.select %ge3A_292, %select_n3A_276, %mul3A_280 : vector<32x1x128xi1>, vector<32x1x128xf32>
    %add3A_295 = arith.addf %select_n3A_293, %select_n3A_294 : vector<32x1x128xf32>
    %mul3A_296 = arith.constant 5.000000e-01 : f32
    %mul3A_297 = vector.broadcast %mul3A_296 : f32 to vector<32x1x128xf32>
    %mul3A_298 = arith.mulf %mul3A_297, %add3A_295 : vector<32x1x128xf32>
    %max3A_299 = vector.broadcast %mul3A_298 : vector<32x1x128xf32> to vector<32x64x128xf32>
    %max3A_300 = arith.maximumf %reshape3A, %max3A_299 : vector<32x64x128xf32>
    %reduce_sum3A_301 = arith.constant dense<0.000000e+00> : vector<32x128xf32>
    %reduce_sum3A_302 = vector.multi_reduction <add>, %max3A_300, %reduce_sum3A_301 [1] : vector<32x64x128xf32> to vector<32x128xf32>
    %broadcast_in_dim3A_303 = vector.shape_cast %reduce_sum3A_302 : vector<32x128xf32> to vector<32x1x128xf32>
    %mul3A_304 = arith.constant 6.400000e+01 : f32
    %mul3A_305 = vector.broadcast %mul3A_304 : f32 to vector<32x1x128xf32>
    %mul3A_306 = arith.mulf %mul3A_305, %mul3A_298 : vector<32x1x128xf32>
    %add3A_307 = arith.constant 1.000000e+00 : f32
    %add3A_308 = vector.broadcast %add3A_307 : f32 to vector<32x1x128xf32>
    %add3A_309 = arith.addf %add3A_308, %mul3A_306 : vector<32x1x128xf32>
    %ge3A_310 = arith.cmpf oge, %broadcast_in_dim3A_303, %add3A_309 : vector<32x1x128xf32>
    %select_n3A_311 = arith.select %ge3A_310, %mul3A_298, %select_n3A_293 : vector<32x1x128xi1>, vector<32x1x128xf32>
    %select_n3A_312 = arith.select %ge3A_310, %select_n3A_294, %mul3A_298 : vector<32x1x128xi1>, vector<32x1x128xf32>
    %add3A_313 = arith.addf %select_n3A_311, %select_n3A_312 : vector<32x1x128xf32>
    %mul3A_314 = arith.constant 5.000000e-01 : f32
    %mul3A_315 = vector.broadcast %mul3A_314 : f32 to vector<32x1x128xf32>
    %mul3A_316 = arith.mulf %mul3A_315, %add3A_313 : vector<32x1x128xf32>
    %max3A_317 = vector.broadcast %mul3A_316 : vector<32x1x128xf32> to vector<32x64x128xf32>
    %max3A_318 = arith.maximumf %reshape3A, %max3A_317 : vector<32x64x128xf32>
    %reduce_sum3A_319 = arith.constant dense<0.000000e+00> : vector<32x128xf32>
    %reduce_sum3A_320 = vector.multi_reduction <add>, %max3A_318, %reduce_sum3A_319 [1] : vector<32x64x128xf32> to vector<32x128xf32>
    %broadcast_in_dim3A_321 = vector.shape_cast %reduce_sum3A_320 : vector<32x128xf32> to vector<32x1x128xf32>
    %mul3A_322 = arith.constant 6.400000e+01 : f32
    %mul3A_323 = vector.broadcast %mul3A_322 : f32 to vector<32x1x128xf32>
    %mul3A_324 = arith.mulf %mul3A_323, %mul3A_316 : vector<32x1x128xf32>
    %add3A_325 = arith.constant 1.000000e+00 : f32
    %add3A_326 = vector.broadcast %add3A_325 : f32 to vector<32x1x128xf32>
    %add3A_327 = arith.addf %add3A_326, %mul3A_324 : vector<32x1x128xf32>
    %ge3A_328 = arith.cmpf oge, %broadcast_in_dim3A_321, %add3A_327 : vector<32x1x128xf32>
    %select_n3A_329 = arith.select %ge3A_328, %mul3A_316, %select_n3A_311 : vector<32x1x128xi1>, vector<32x1x128xf32>
    %select_n3A_330 = arith.select %ge3A_328, %select_n3A_312, %mul3A_316 : vector<32x1x128xi1>, vector<32x1x128xf32>
    %add3A_331 = arith.addf %select_n3A_329, %select_n3A_330 : vector<32x1x128xf32>
    %mul3A_332 = arith.constant 5.000000e-01 : f32
    %mul3A_333 = vector.broadcast %mul3A_332 : f32 to vector<32x1x128xf32>
    %mul3A_334 = arith.mulf %mul3A_333, %add3A_331 : vector<32x1x128xf32>
    %max3A_335 = vector.broadcast %mul3A_334 : vector<32x1x128xf32> to vector<32x64x128xf32>
    %max3A_336 = arith.maximumf %reshape3A, %max3A_335 : vector<32x64x128xf32>
    %reduce_sum3A_337 = arith.constant dense<0.000000e+00> : vector<32x128xf32>
    %reduce_sum3A_338 = vector.multi_reduction <add>, %max3A_336, %reduce_sum3A_337 [1] : vector<32x64x128xf32> to vector<32x128xf32>
    %broadcast_in_dim3A_339 = vector.shape_cast %reduce_sum3A_338 : vector<32x128xf32> to vector<32x1x128xf32>
    %mul3A_340 = arith.constant 6.400000e+01 : f32
    %mul3A_341 = vector.broadcast %mul3A_340 : f32 to vector<32x1x128xf32>
    %mul3A_342 = arith.mulf %mul3A_341, %mul3A_334 : vector<32x1x128xf32>
    %add3A_343 = arith.constant 1.000000e+00 : f32
    %add3A_344 = vector.broadcast %add3A_343 : f32 to vector<32x1x128xf32>
    %add3A_345 = arith.addf %add3A_344, %mul3A_342 : vector<32x1x128xf32>
    %ge3A_346 = arith.cmpf oge, %broadcast_in_dim3A_339, %add3A_345 : vector<32x1x128xf32>
    %select_n3A_347 = arith.select %ge3A_346, %mul3A_334, %select_n3A_329 : vector<32x1x128xi1>, vector<32x1x128xf32>
    %select_n3A_348 = arith.select %ge3A_346, %select_n3A_330, %mul3A_334 : vector<32x1x128xi1>, vector<32x1x128xf32>
    %gt3A_349 = vector.broadcast %select_n3A_347 : vector<32x1x128xf32> to vector<32x64x128xf32>
    %gt3A_350 = arith.cmpf ogt, %reshape3A, %gt3A_349 : vector<32x64x128xf32>
    %convert_element_type3A_351 = arith.extui %gt3A_350 : vector<32x64x128xi1> to vector<32x64x128xi32>
    %convert_element_type3A_352 = arith.sitofp %convert_element_type3A_351 : vector<32x64x128xi32> to vector<32x64x128xf32>
    %reduce_sum3A_353 = arith.constant dense<0.000000e+00> : vector<32x128xf32>
    %reduce_sum3A_354 = vector.multi_reduction <add>, %convert_element_type3A_352, %reduce_sum3A_353 [1] : vector<32x64x128xf32> to vector<32x128xf32>
    %broadcast_in_dim3A_355 = vector.shape_cast %reduce_sum3A_354 : vector<32x128xf32> to vector<32x1x128xf32>
    %mul3A_356 = arith.mulf %reshape3A, %convert_element_type3A_352 : vector<32x64x128xf32>
    %reduce_sum3A_357 = arith.constant dense<0.000000e+00> : vector<32x128xf32>
    %reduce_sum3A_358 = vector.multi_reduction <add>, %mul3A_356, %reduce_sum3A_357 [1] : vector<32x64x128xf32> to vector<32x128xf32>
    %broadcast_in_dim3A_359 = vector.shape_cast %reduce_sum3A_358 : vector<32x128xf32> to vector<32x1x128xf32>
    %sub3A_360 = arith.constant 1.000000e+00 : f32
    %sub3A_361 = vector.broadcast %sub3A_360 : f32 to vector<32x1x128xf32>
    %sub3A_362 = arith.subf %broadcast_in_dim3A_359, %sub3A_361 : vector<32x1x128xf32>
    %div3A_363 = arith.divf %sub3A_362, %broadcast_in_dim3A_355 : vector<32x1x128xf32>
    %max3A_364 = arith.maximumf %select_n3A_347, %div3A_363 : vector<32x1x128xf32>
    %min3A_365 = arith.minimumf %select_n3A_348, %max3A_364 : vector<32x1x128xf32>
    %sub3A_366 = vector.broadcast %min3A_365 : vector<32x1x128xf32> to vector<32x64x128xf32>
    %sub3A_367 = arith.subf %reshape3A, %sub3A_366 : vector<32x64x128xf32>
    %max3A_368 = arith.constant 0.000000e+00 : f32
    %max3A_369 = vector.broadcast %max3A_368 : f32 to vector<32x64x128xf32>
    %max3A_370 = arith.maximumf %sub3A_367, %max3A_369 : vector<32x64x128xf32>
    %reshape3A_371 = vector.shape_cast %max3A_370 : vector<32x64x128xf32> to vector<2048x128xf32>
    %transpose3A_372 = tpu.transpose %reshape3A_371, [1, 0] : vector<2048x128xf32> -> vector<128x2048xf32>
    %mul3A_373 = arith.mulf %max3A_180, %transpose3A_372 : vector<128x2048xf32>
    %swap3A = arith.constant 0 : index
    %swap3A_374 = arith.constant 0 : index
    %swap3A_375 = arith.constant 0 : index
    %swap3A_376 = vector.load %arg3[%swap3A, %swap3A_374, %swap3A_375] : memref<1x128x2048xf32, #tpu.memory_space<vmem>>, vector<1x128x2048xf32>
    %swap3A_377 = vector.shape_cast %swap3A_376 : vector<1x128x2048xf32> to vector<128x2048xf32>
    %swap3A_378 = vector.shape_cast %mul3A_373 : vector<128x2048xf32> to vector<1x128x2048xf32>
    tpu.vector_store %arg3[%swap3A, %swap3A_374, %swap3A_375], %swap3A_378 {strides = array<i32>} : memref<1x128x2048xf32, #tpu.memory_space<vmem>>, vector<1x128x2048xf32>,
    return
  }
  func.func @transform_0(%arg0: i32, %arg1: i32) -> (i32, i32, i32) {
    %c0_i32 = arith.constant 0 : i32
    %c0_i32_0 = arith.constant 0 : i32
    return %arg0, %c0_i32, %arg1 : i32, i32, i32
  }
  func.func @transform_1(%arg0: i32, %arg1: i32) -> (i32, i32, i32) {
    %c0_i32 = arith.constant 0 : i32
    %c0_i32_0 = arith.constant 0 : i32
    return %arg0, %c0_i32, %arg1 : i32, i32, i32
  }
}

</mosaic_0001>

<sc_bundles>
// kernel: kernel.12.cloned.1.call-start
scs
__scs_entry_jumppad:
0x0: {  	(pc) =	sbr.rel $0x88, $3  }
0x1: {  	(tag) =	ssettag $0x0;
	lr =	simm.s32 $0x1  }
0x2: {  	[smem:$0x3FA0] =	sst lr;
	_ =	strace $0xD0000000  }
0x3: {  	_ = 	snop  }
0x4: {  	_ = 	snop  }
0x5: {  	_ = 	snop  }
0x6: {  	_ = 	snop  }
0x7: {  	_ = 	snop  }
__scs_overlays_trampoline_lowered:
0x8: {  	[smem:$0x3FAF] =	sst s0  }
0x9: {  	[smem:$0x3FB0] =	sst s1  }
0xa: {  	[smem:$0x3FB1] =	sst s2  }
0xb: {  	[smem:$0x3FB2] =	sst s3  }
0xc: {  	[smem:$0x3FB3] =	sst s4  }
0xd: {  	[smem:$0x3FB4] =	sst s5  }
0xe: {  	[smem:$0x3FB5] =	sst s6  }
0xf: {  	[smem:$0x3FB6] =	sst s7  }
0x10: {  	[smem:$0x3FB7] =	sst s8  }
0x11: {  	[smem:$0x3FB8] =	sst s9;
	s0 =	simm.s32 @!p0 $0x0  }
0x12: {  	s1 =	sld [smem:$0x3F9E];
	s0 =	simm.s32 @p0 $0x1  }
0x13: {  	[smem:$0x3FB9] =	sst s0;
	s0 =	simm.s32 @!p1 $0x0  }
0x14: {  	s2 =	sld [smem:$0x3F9D];
	s0 =	simm.s32 @p1 $0x1  }
0x15: {  	[smem:$0x3FBA] =	sst s0;
	s0 =	simm.s32 @!p2 $0x0  }
0x16: {  	s3 =	sld [smem:$0x3FDB];
	s0 =	simm.s32 @p2 $0x1  }
0x17: {  	s4 =	simm.s32 $0x1BF5;
	[smem:$0x3FBC] =	sst s0  }
0x18: {  	s0 =	sld [smem:$0x3F9F];
	_ =	swait.ge [sflag:s4], $0x0  }
0x19: {  	s7 =	sld [smem:$0x3FA0]  }
0x1a: {  	s8 =	sadd.s32 $0xFFFFE003, lr  }
0x1b: {  	s9 =	sadd.s32 $0xFFFFFEF7, lr;
	s5 =	simm.s32 $0xFFFFFFFF;
	p2 =	slt.u32 s8, $0xFFFFF086  }
0x1c: {  	p1 =	slt.u32 s9, $0xF7A;
	s5 =	simm.s32 @!p2 $0x0  }
0x1d: {  	s5 =	simm.s32 @p1 $0x1;
	p0 =	seq.s32 s7, s2  }
0x1e: {  	s7 =	smul.u32 @!p0 $0xF7A, s2;
	p2 =	seq.s32 @!p0 s5, $0x0  }
0x1f: {  	s9 =	smul.u32 $0xF7A, s1;
	s8 =	simm.s32 @!p0 $0x1BF5;
	p2 =	por !p2, p0  }
0x20: {  	[sflag:s8] =	ssyncset.s32 @!p0 $0xFFFFF086;
	s6 =	sadd.s32 @!p0 s3, s7;
	s7 =	simm.s32 @!p0 $0x108  }
0x21: {  	s3 =	sadd.s32 s3, s9;
	s6 =	sadd.s32 @!p0 $0x88, s6;
	s7 =	simm.s32 @p2 $0x1082  }
0x22: {  	[simem:s7], [sflag:s8] =	dma.local @!p0 [hbm:s6], $0xF7A  }
0x23: {  	s9 =	sor.u32 $0xD0000000, s2;
	s6 =	simm.s32 $0x108;
	_ =	swait.ge @!p0 [sflag:s8], $0x0  }
0x24: {  	s3 =	sadd.s32 $0x88, s3;
	s6 =	simm.s32 @!p1 $0x1082;
	[sflag:s4] =	ssyncset.s32 $0xFFFFF086  }
0x25: {  	[simem:s6], [sflag:s4] =	dma.local [hbm:s3], $0xF7A  }
0x26: {  	[smem:$0x3FA0] =	sst s1;
	(tag) =	ssettag s2;
	_ =	strace s9  }
0x27: {  	s1 =	sld [smem:$0x3FB0]  }
0x28: {  	s2 =	sld [smem:$0x3FB1]  }
0x29: {  	s4 =	sld [smem:$0x3FB3]  }
0x2a: {  	p0 =	seq.s32 s5, $0x0;
	s5 =	sld [smem:$0x3FB4]  }
0x2b: {  	s6 =	sld [smem:$0x3FB5]  }
0x2c: {  	s7 =	sld [smem:$0x3FB6]  }
0x2d: {  	s3 =	simm.s32 $0x108;
	s8 =	sld [smem:$0x3FB7]  }
0x2e: {  	s3 =	simm.s32 @!p0 $0x1082;
	s9 =	sld [smem:$0x3FB8]  }
0x2f: {  	lr =	sadd.s32 s0, s3;
	s0 =	sld [smem:$0x3FAF]  }
0x30: {  	s3 =	sld [smem:$0x3FB2]  }
0x31: {  	[smem:$0x3FBB] =	sst s10  }
0x32: {  	s10 =	sld [smem:$0x3FB9];
	_ =	sdelay $0x3  }
0x33: {  	p0 =	seq.s32 s10, $0x1;
	s10 =	sld [smem:$0x3FBB];
	_ =	sdelay $0x3  }
0x34: {  	[smem:$0x3FBB] =	sst s10  }
0x35: {  	s10 =	sld [smem:$0x3FBA];
	_ =	sdelay $0x3  }
0x36: {  	p1 =	seq.s32 s10, $0x1;
	s10 =	sld [smem:$0x3FBB];
	_ =	sdelay $0x3  }
0x37: {  	[smem:$0x3FBB] =	sst s10  }
0x38: {  	s10 =	sld [smem:$0x3FBC]  }
0x39: {  	_ = 	snop;
	(pc) =	sbr.ind lr, $3  }
0x3a: {  	_ = 	snop  }
0x3b: {  	_ = 	snop  }
0x3c: {  	p2 =	seq.s32 s10, $0x1;
	s10 =	sld [smem:$0x3FBB]  }
0x3d: {  	_ =	shalt  }
0x3e: {  	_ =	shalt  }
0x3f: {  	_ =	shalt  }
0x40: {  	_ =	shalt  }
0x41: {  	_ =	shalt  }
0x42: {  	_ =	shalt  }
0x43: {  	_ =	shalt  }
0x44: {  	_ =	shalt  }
0x45: {  	_ =	shalt  }
0x46: {  	_ =	shalt  }
0x47: {  	_ =	shalt  }
0x48: {  	_ =	shalt  }
0x49: {  	_ =	shalt  }
0x4a: {  	_ =	shalt  }
0x4b: {  	_ =	shalt  }
0x4c: {  	_ =	shalt  }
0x4d: {  	_ =	shalt  }
0x4e: {  	_ =	shalt  }
0x4f: {  	_ =	shalt  }
0x50: {  	_ =	shalt  }
0x51: {  	_ =	shalt  }
0x52: {  	_ =	shalt  }
0x53: {  	_ =	shalt  }
0x54: {  	_ =	shalt  }
0x55: {  	_ =	shalt  }
0x56: {  	_ =	shalt  }
0x57: {  	_ =	shalt  }
0x58: {  	_ =	shalt  }
0x59: {  	_ =	shalt  }
0x5a: {  	_ =	shalt  }
0x5b: {  	_ =	shalt  }
0x5c: {  	_ =	shalt  }
0x5d: {  	_ =	shalt  }
0x5e: {  	_ =	shalt  }
0x5f: {  	_ =	shalt  }
0x60: {  	_ =	shalt  }
0x61: {  	_ =	shalt  }
0x62: {  	_ =	shalt  }
0x63: {  	_ =	shalt  }
0x64: {  	_ =	shalt  }
0x65: {  	_ =	shalt  }
0x66: {  	_ =	shalt  }
0x67: {  	_ =	shalt  }
0x68: {  	_ =	shalt  }
0x69: {  	_ =	shalt  }
0x6a: {  	_ =	shalt  }
0x6b: {  	_ =	shalt  }
0x6c: {  	_ =	shalt  }
0x6d: {  	_ =	shalt  }
0x6e: {  	_ =	shalt  }
0x6f: {  	_ =	shalt  }
0x70: {  	_ =	shalt  }
0x71: {  	_ =	shalt  }
0x72: {  	_ =	shalt  }
0x73: {  	_ =	shalt  }
0x74: {  	_ =	shalt  }
0x75: {  	_ =	shalt  }
0x76: {  	_ =	shalt  }
0x77: {  	_ =	shalt  }
0x78: {  	_ =	shalt  }
0x79: {  	_ =	shalt  }
0x7a: {  	_ =	shalt  }
0x7b: {  	_ =	shalt  }
0x7c: {  	_ =	shalt  }
0x7d: {  	_ =	shalt  }
0x7e: {  	_ =	shalt  }
0x7f: {  	_ =	shalt  }
0x80: {  	_ =	shalt  }
0x81: {  	_ =	shalt  }
0x82: {  	_ =	shalt  }
0x83: {  	_ =	shalt  }
0x84: {  	_ =	shalt  }
0x85: {  	_ =	shalt  }
0x86: {  	_ =	shalt  }
0x87: {  	_ =	shalt  }
.Lfunc_end0:
.L_simem_size_0:
called_computation.2_lowered:
.L_overlay_start_0:
0x88: {  	s2 =	sld [smem:$0x3FD9]  }
0x89: {  	s3 =	sld [smem:$0x3FFE];
	_ =	sdelay $0x1  }
0x8a: {  	s1 =	srdreg.scid  }
0x8b: {  	s0 =	sand.u32 $0x1, s1  }
0x8c: {  	s16 =	sshll.u32 s0, $0xA;
	s2 =	sadd.s32 s3, s2  }
0x8d: {  	s2 =	sadd.s32 s2, s16  }
0x8e: {  	[smem:$0x3FC7] =	sst s2  }
0x8f: {  	_ = 	snop  }
0x90: {  	(tm) =	ssettm $0x1  }
0x91: {  	s17 =	sld [smem:$0x3FFB];
	_ =	sdelay $0x3  }
0x92: {  	_ =	strace s17  }
0x93: {  	s2 =	sld [smem:$0x3FFC];
	_ =	sdelay $0x3  }
0x94: {  	_ =	strace s2  }
0x95: {  	s2 =	sld [smem:$0x3FFD];
	_ =	sdelay $0x3  }
0x96: {  	_ =	strace s2  }
0x97: {  	_ =	strace $0x8FFFFFFF  }
0x98: {  	s18 =	sld [smem:$0x3FDB];
	_ =	sdelay $0x1  }
0x99: {  	s19 =	simm.s32 $_scs_section_size  }
0x9a: {  	s4 =	simm.s32 $_size__tile_overlayer_lowered;
	s5 =	simm.s32 $_tile_overlayer_lowered  }
0x9b: {  	s22 =	simm.s32 $0x1BFF;
	s21 =	sshll.u32 s5, $0x1;
	s2 =	sadd.s32 s19, s18  }
0x9c: {  	s6 =	simm.s32 $0x0;
	s20 =	sshll.u32 s4, $0x1;
	s4 =	sadd.s32 s21, s2  }
0x9d: {  	[timem:s6], [sflag:s22] =	dma.local [hbm:s4], s20  }
0x9e: {  	_ =	swait.ge [sflag:s22], s20  }
0x9f: {  	s3 =	ssub.s32 $0x0, s20;
	[sflag:s22] =	ssyncset.done $0x0  }
0xa0: {  	[sflag:s22] =	ssyncadd.s32 s3;
	_ =	sdelay $0x1  }
0xa1: {  	s23 =	simm.s32 $0x1B8B  }
0xa2: {  	_ =	swait.ge [sflag:s23], $0x1  }
0xa3: {  	[sflag:s23] =	ssyncset.done $0x0  }
0xa4: {  	s25 =	simm.s32 $0x1B8E;
	s24 =	sld [smem:$0x3FFE];
	[sflag:s23] =	ssyncadd.s32 $0xFFFFFFFF  }
0xa5: {  	s26 =	simm.s32 $execute0_lowered;
	[smem:$0x3FD2] =	sst s25  }
0xa6: {  	s4 =	sshll.u32 s26, $0x1;
	_ =	strace $0x8000004C;
	[dreg:$0x1] =	wrdreg $0xFFFFFFFF  }
0xa7: {  	s28 =	simm.s32 $_size_execute0_lowered;
	s2 =	sadd.s32 s2, s4;
	[dreg:$0x0] =	wrdreg $0x0  }
0xa8: {  	s4 =	sshll.u32 s28, $0x1;
	[dreg:$0x2] =	wrdreg s2  }
0xa9: {  	[dreg:$0x3] =	wrdreg s4  }
0xaa: {  	[dreg:$0x4] =	wrdreg $0xC0  }
0xab: {  	_ =	task [dreg:s6], $0x5FFFF  }
0xac: {  	[dreg:$0x1] =	wrdreg $0xFFFFFFFF  }
0xad: {  	[dreg:$0x0] =	wrdreg $0x60  }
0xae: {  	[dreg:$0x2] =	wrdreg s24  }
0xaf: {  	[dreg:$0x3] =	wrdreg $0x9  }
0xb0: {  	_ =	task.clear_ibuf [dreg:s6], $0x4FFFF;
	_ =	strace $0x9000004C  }
0xb1: {  	s29 =	simm.s32 $0x9;
	_ =	strace $0x8000004E  }
0xb2: {  	_ =	swait.ge [sflag:s29], $0x1  }
0xb3: {  	[sflag:s29] =	ssyncadd.s32 $0xFFFFFFFF  }
0xb4: {  	_ =	strace $0x9000004E  }
0xb5: {  	_ =	sfence  }
0xb6: {  	s30 =	sld [smem:$0x0];
	_ =	sdelay $0x2  }
0xb7: {  	s31 =	sshll.u32 s1, $0xD;
	s1 =	sshrl.u32 s1, $0x2  }
0xb8: {  	s3 =	sand.u32 $0x4000, s31;
	s1 =	sadd.s32 s1, s30  }
0xb9: {  	s0 =	sor.u32 s3, s0;
	s1 =	sshll.u32 s1, $0x11  }
0xba: {  	s0 =	sor.u32 s1, s0  }
0xbb: {  	s0 =	sadd.s32 $0x8F2B, s0  }
0xbc: {  	[sflag:s0] =	ssyncadd.remote.s32 $0x1  }
0xbd: {  	_ =	sfence.sel $0xFFFF  }
0xbe: {  	[dreg:$0x0] =	wrdreg $0xFFFFFFFF;
	(pc) =	sbr.abs _section_cstart, $3  }
0xbf: {  	[dreg:$0x1] =	wrdreg $0xFFFFFFFF  }
0xc0: {  	_ =	task.clear_ibuf [dreg:s6], $0x2FFFF;
	_ =	strace $0x9FFFFFFF  }
0xc1: {  	(tm) =	ssettm $0x7FFFFFFF  }
tec
execute0_lowered:
.L_overlay_start_1:
0x0: {  	(tag) =	ssettag $0x1  }
0x1: {  	s3 =	rddreg [dreg:$0x0];
	s2 =	srdreg.scid  }
0x2: {  	s0 =	rddreg [dreg:$0x1];
	s1 =	stileid.u32  }
0x3: {  	s9 =	simm.s32 $0x10000;
	s10 =	simm.s32 $0x1;
	s11 =	simm.s32 $0x8000  }
0x4: {  	s12 =	simm.s32 $0x10100;
	s13 =	simm.s32 $0x0;
	s4 =	sand.u32 $0x1, s2  }
0x5: {  	s2 =	simm.s32 $0x0;
	s5 =	sshll.u32 s1, $0x9;
	s6 =	sshll.u32 s4, $0x8  }
0x6: {  	[smem:$0x7FF] =	sst s2;
	s4 =	ssub.s32 $0x2, s4;
	s5 =	sor.u32 s6, s5  }
0x7: {  	_ =	strace $0x8000004D;
	s31 =	sshrl.u32 s4, $0x1;
	s6 =	sshrl.u32 s5, $0x3  }
0x8: {  	s7 =	sadd.s32 s5, s3;
	s8 =	ssub.s32 s4, s31;
	s6 =	sadd.s32 s6, s3  }
0x9: {  	s3 =	sadd.s32 $0xE00, s7;
	s4 =	sadd.s32 $0x21A00, s7;
	s5 =	sadd.s32 $0x21600, s6  }
0xa: {  	s6 =	sadd.s32 $0x41A00, s7;
	s7 =	smax.u32 s8, $0x1;
	s8 =	simm.s32 $0x800  }
.LBB2_1:
0xb: {  	[tilespmem:s2], [sflag:$0x1] =	stream.strided.gather [hbm4b:s3+s8], $0x8000, s9, s8, $0x38;
	[tilespmem:$0x18100] =	vst v63  }
0xc: {  	_ =	swait.ge [sflag:s10], $0x8000  }
0xd: {  	[sflag:s10] =	ssyncset.done $0x0  }
0xe: {  	[sflag:s10] =	ssyncadd.s32 $0xFFFF8000  }
0xf: {  	[tilespmem:s11], [sflag:$0x1] =	stream.strided.gather [hbm4b:s4+s8], $0x8000, s9, s8, $0x38;
	[tilespmem:$0x18100] =	vst v63  }
0x10: {  	_ =	swait.ge [sflag:s10], $0x8000  }
0x11: {  	[sflag:s10] =	ssyncset.done $0x0  }
0x12: {  	[sflag:s10] =	ssyncadd.s32 $0xFFFF8000  }
0x13: {  	[tilespmem:s9], [sflag:$0x1] =	stream.linear.gather [hbm4b:s5+s2], $0x100, $0x38;
	[tilespmem:$0x18100] =	vst v63  }
0x14: {  	_ =	swait.ge [sflag:s10], $0x100  }
0x15: {  	[sflag:s10] =	ssyncset.done $0x0  }
0x16: {  	s14 =	simm.s32 $0x0;
	[sflag:s10] =	ssyncadd.s32 $0xFFFFFF00  }
.LBB2_2:
0x17: {  	s15 =	sshll.u32 s14, $0x8;
	s16 =	sshll.u32 s14, $0x7  }
0x18: {  	s17 =	simm.s32 $0x0;
	s15 =	sand.u32 $0x7800, s15;
	s16 =	sand.u32 $0x380, s16  }
0x19: {  	s31 =	sand.u32 $0x400, s17;
	s15 =	sor.u32 s15, s16  }
0x1a: {  	s17 =	sand.u32 $0x70, s17;
	s16 =	sor.u32 s31, s15  }
0x1b: {  	s17 =	sor.u32 s17, s16  }
0x1c: {  	v0 =	vld [tilespmem:s17+$0x0]  }
0x1d: {  	s16 =	simm.s32 $0x10000;
	v1 =	vld [tilespmem:s17+$0x8000]  }
0x1e: {  	v2 =	vld [tilespmem:s16+$0x0];
	_ =	sdelay $0x4  }
0x1f: {  	s18 =	simm.s32 $0x80;
	v2 =	vsub.f32 v0, v2;
	v0 =	vsub.f32 v0, v1  }
0x20: {  	s19 =	simm.s32 $0x10;
	s20 =	sand.u32 $0x400, s18  }
0x21: {  	s19 =	sand.u32 $0x70, s19;
	s20 =	sor.u32 s20, s15;
	v1 =	vmax.f32 v2, $0.0e+00;
	v0 =	vmax.f32 v0, $0.0e+00  }
0x22: {  	s20 =	sor.u32 s19, s20;
	s19 =	simm.s32 $0x20;
	v0 =	vmul.f32 v0, v1  }
.LBB2_3:
0x23: {  	p0 =	sne.s32 s19, $0xF0;
	v1 =	vld [tilespmem:s20+$0x0]  }
0x24: {  	s16 =	sadd.s32 $0x10, s16;
	v2 =	vld [tilespmem:s20+$0x8000];
	[tilespmem:s17+$0x10100] =	vst v0;
	s17 =	smov.u32 s20  }
0x25: {  	v0 =	vld [tilespmem:s16+$0x0];
	_ =	sdelay $0x3  }
.Ltmp0:
0x26: {  	(pc) =	sbr.rel @p0 .LBB2_3-.Ltmp0, $4  }
0x27: {  	s18 =	sadd.s32 $0x80, s18;
	v0 =	vsub.f32 v1, v0;
	v1 =	vsub.f32 v1, v2  }
0x28: {  	s20 =	sand.u32 $0x400, s18  }
0x29: {  	s21 =	sand.u32 $0x70, s19;
	s20 =	sor.u32 s20, s15;
	v0 =	vmax.f32 v0, $0.0e+00;
	v1 =	vmax.f32 v1, $0.0e+00  }
0x2a: {  	s19 =	sadd.s32 $0x10, s19;
	s20 =	sor.u32 s21, s20;
	v0 =	vmul.f32 v1, v0  }
0x2b: {  	v1 =	vld [tilespmem:s20+$0x0]  }
0x2c: {  	v2 =	vld [tilespmem:s20+$0x8000];
	s15 =	sadd.s32 $0x10, s16;
	[tilespmem:s17+$0x10100] =	vst v0  }
0x2d: {  	v0 =	vld [tilespmem:s15+$0x0];
	_ =	sdelay $0x3  }
0x2e: {  	s14 =	sadd.s32 $0x1, s14  }
0x2f: {  	p0 =	sne.s32 s14, $0x80;
	v0 =	vsub.f32 v1, v0;
	v1 =	vsub.f32 v1, v2  }
.Ltmp1:
0x30: {  	_ = 	snop;
	(pc) =	sbr.rel @p0 .LBB2_2-.Ltmp1, $3  }
0x31: {  	v0 =	vmax.f32 v0, $0.0e+00;
	v1 =	vmax.f32 v1, $0.0e+00  }
0x32: {  	v0 =	vmul.f32 v1, v0;
	_ =	sdelay $0x1  }
0x33: {  	[tilespmem:s20+$0x10100] =	vst v0  }
0x34: {  	s13 =	sadd.s32 $0x1, s13  }
0x35: {  	p0 =	sne.s32 s13, s7  }
.Ltmp2:
0x36: {  	_ = 	snop;
	(pc) =	sbr.rel @p0 .LBB2_1-.Ltmp2, $4  }
0x37: {  	[hbm4b:s6+s8] =	stream.strided.scatter [tilespmem:s12], [sflag:$0x1], $0x8000, s9, s8, $0x38;
	[tilespmem:$0x18100] =	vst v63  }
0x38: {  	_ =	swait.ge [sflag:s10], $0x8000  }
0x39: {  	[sflag:s10] =	ssyncset.done $0x0  }
0x3a: {  	[sflag:s10] =	ssyncadd.s32 $0xFFFF8000  }
0x3b: {  	_ =	sfence.sel $0x180000  }
0x3c: {  	[bflag:$0x0] =	sbarrier.arrive $0xFFFF  }
0x3d: {  	p0 =	sne.s32 s1, $0x0;
	_ =	strace $0x9000004D  }
0x3e: {  	s0 =	sadd.s32 @!p0 $0x100000, s0;
	[bflag:$0x2] =	sbarrier.arrive $0xFFFF  }
0x3f: {  	[sflag:s0] =	ssyncadd.tile.s32 @!p0 $0x1;
	_ =	shalt  }
.Lfunc_end2:
_tile_overlayer_lowered:
.L_overlay_start_2:
0x40: {  	(tag) =	ssettag $0x2  }
0x41: {  	s0 =	rddreg [dreg:$0x0];
	s2 =	stileid.u32  }
0x42: {  	s1 =	rddreg [dreg:$0x1];
	p0 =	sne.s32 s2, $0x0  }
0x43: {  	s3 =	rddreg [dreg:$0x2];
	[bflag:$0x3] =	sbarrier.arrive $0xFFFF;
	s2 =	simm.s32 @!p0 $0x1C01  }
0x44: {  	[timem:s3], [sflag:s2] =	dma.local @!p0 [hbm:s0], s1  }
0x45: {  	s0 =	simm.s32 @!p0 $0x1  }
0x46: {  	_ =	swait.ge @!p0 [sflag:s0], s1  }
0x47: {  	s1 =	ssub.s32 @!p0 $0x0, s1;
	[sflag:s0] =	ssyncset.done @!p0 $0x0  }
0x48: {  	[sflag:s0] =	ssyncadd.s32 @!p0 s1  }
0x49: {  	[bflag:$0x3] =	sbarrier.arrive $0xFFFF  }
0x4a: {  	_ =	shalt  }

// kernel: kernel.6.cloned.1.call-start
scs
__scs_entry_jumppad:
0x0: {  	(pc) =	sbr.rel $0x88, $3  }
0x1: {  	(tag) =	ssettag $0x0;
	lr =	simm.s32 $0x1  }
0x2: {  	[smem:$0x3FA0] =	sst lr;
	_ =	strace $0xD0000000  }
0x3: {  	_ = 	snop  }
0x4: {  	_ = 	snop  }
0x5: {  	_ = 	snop  }
0x6: {  	_ = 	snop  }
0x7: {  	_ = 	snop  }
__scs_overlays_trampoline_lowered:
0x8: {  	[smem:$0x3FAF] =	sst s0  }
0x9: {  	[smem:$0x3FB0] =	sst s1  }
0xa: {  	[smem:$0x3FB1] =	sst s2  }
0xb: {  	[smem:$0x3FB2] =	sst s3  }
0xc: {  	[smem:$0x3FB3] =	sst s4  }
0xd: {  	[smem:$0x3FB4] =	sst s5  }
0xe: {  	[smem:$0x3FB5] =	sst s6  }
0xf: {  	[smem:$0x3FB6] =	sst s7  }
0x10: {  	[smem:$0x3FB7] =	sst s8  }
0x11: {  	[smem:$0x3FB8] =	sst s9;
	s0 =	simm.s32 @!p0 $0x0  }
0x12: {  	s1 =	sld [smem:$0x3F9E];
	s0 =	simm.s32 @p0 $0x1  }
0x13: {  	[smem:$0x3FB9] =	sst s0;
	s0 =	simm.s32 @!p1 $0x0  }
0x14: {  	s2 =	sld [smem:$0x3F9D];
	s0 =	simm.s32 @p1 $0x1  }
0x15: {  	[smem:$0x3FBA] =	sst s0;
	s0 =	simm.s32 @!p2 $0x0  }
0x16: {  	s3 =	sld [smem:$0x3FDB];
	s0 =	simm.s32 @p2 $0x1  }
0x17: {  	s4 =	simm.s32 $0x1BF5;
	[smem:$0x3FBC] =	sst s0  }
0x18: {  	s0 =	sld [smem:$0x3F9F];
	_ =	swait.ge [sflag:s4], $0x0  }
0x19: {  	s7 =	sld [smem:$0x3FA0]  }
0x1a: {  	s8 =	sadd.s32 $0xFFFFE003, lr  }
0x1b: {  	s9 =	sadd.s32 $0xFFFFFEF7, lr;
	s5 =	simm.s32 $0xFFFFFFFF;
	p2 =	slt.u32 s8, $0xFFFFF086  }
0x1c: {  	p1 =	slt.u32 s9, $0xF7A;
	s5 =	simm.s32 @!p2 $0x0  }
0x1d: {  	s5 =	simm.s32 @p1 $0x1;
	p0 =	seq.s32 s7, s2  }
0x1e: {  	s7 =	smul.u32 @!p0 $0xF7A, s2;
	p2 =	seq.s32 @!p0 s5, $0x0  }
0x1f: {  	s9 =	smul.u32 $0xF7A, s1;
	s8 =	simm.s32 @!p0 $0x1BF5;
	p2 =	por !p2, p0  }
0x20: {  	[sflag:s8] =	ssyncset.s32 @!p0 $0xFFFFF086;
	s6 =	sadd.s32 @!p0 s3, s7;
	s7 =	simm.s32 @!p0 $0x108  }
0x21: {  	s3 =	sadd.s32 s3, s9;
	s6 =	sadd.s32 @!p0 $0x88, s6;
	s7 =	simm.s32 @p2 $0x1082  }
0x22: {  	[simem:s7], [sflag:s8] =	dma.local @!p0 [hbm:s6], $0xF7A  }
0x23: {  	s9 =	sor.u32 $0xD0000000, s2;
	s6 =	simm.s32 $0x108;
	_ =	swait.ge @!p0 [sflag:s8], $0x0  }
0x24: {  	s3 =	sadd.s32 $0x88, s3;
	s6 =	simm.s32 @!p1 $0x1082;
	[sflag:s4] =	ssyncset.s32 $0xFFFFF086  }
0x25: {  	[simem:s6], [sflag:s4] =	dma.local [hbm:s3], $0xF7A  }
0x26: {  	[smem:$0x3FA0] =	sst s1;
	(tag) =	ssettag s2;
	_ =	strace s9  }
0x27: {  	s1 =	sld [smem:$0x3FB0]  }
0x28: {  	s2 =	sld [smem:$0x3FB1]  }
0x29: {  	s4 =	sld [smem:$0x3FB3]  }
0x2a: {  	p0 =	seq.s32 s5, $0x0;
	s5 =	sld [smem:$0x3FB4]  }
0x2b: {  	s6 =	sld [smem:$0x3FB5]  }
0x2c: {  	s7 =	sld [smem:$0x3FB6]  }
0x2d: {  	s3 =	simm.s32 $0x108;
	s8 =	sld [smem:$0x3FB7]  }
0x2e: {  	s3 =	simm.s32 @!p0 $0x1082;
	s9 =	sld [smem:$0x3FB8]  }
0x2f: {  	lr =	sadd.s32 s0, s3;
	s0 =	sld [smem:$0x3FAF]  }
0x30: {  	s3 =	sld [smem:$0x3FB2]  }
0x31: {  	[smem:$0x3FBB] =	sst s10  }
0x32: {  	s10 =	sld [smem:$0x3FB9];
	_ =	sdelay $0x3  }
0x33: {  	p0 =	seq.s32 s10, $0x1;
	s10 =	sld [smem:$0x3FBB];
	_ =	sdelay $0x3  }
0x34: {  	[smem:$0x3FBB] =	sst s10  }
0x35: {  	s10 =	sld [smem:$0x3FBA];
	_ =	sdelay $0x3  }
0x36: {  	p1 =	seq.s32 s10, $0x1;
	s10 =	sld [smem:$0x3FBB];
	_ =	sdelay $0x3  }
0x37: {  	[smem:$0x3FBB] =	sst s10  }
0x38: {  	s10 =	sld [smem:$0x3FBC]  }
0x39: {  	_ = 	snop;
	(pc) =	sbr.ind lr, $3  }
0x3a: {  	_ = 	snop  }
0x3b: {  	_ = 	snop  }
0x3c: {  	p2 =	seq.s32 s10, $0x1;
	s10 =	sld [smem:$0x3FBB]  }
0x3d: {  	_ =	shalt  }
0x3e: {  	_ =	shalt  }
0x3f: {  	_ =	shalt  }
0x40: {  	_ =	shalt  }
0x41: {  	_ =	shalt  }
0x42: {  	_ =	shalt  }
0x43: {  	_ =	shalt  }
0x44: {  	_ =	shalt  }
0x45: {  	_ =	shalt  }
0x46: {  	_ =	shalt  }
0x47: {  	_ =	shalt  }
0x48: {  	_ =	shalt  }
0x49: {  	_ =	shalt  }
0x4a: {  	_ =	shalt  }
0x4b: {  	_ =	shalt  }
0x4c: {  	_ =	shalt  }
0x4d: {  	_ =	shalt  }
0x4e: {  	_ =	shalt  }
0x4f: {  	_ =	shalt  }
0x50: {  	_ =	shalt  }
0x51: {  	_ =	shalt  }
0x52: {  	_ =	shalt  }
0x53: {  	_ =	shalt  }
0x54: {  	_ =	shalt  }
0x55: {  	_ =	shalt  }
0x56: {  	_ =	shalt  }
0x57: {  	_ =	shalt  }
0x58: {  	_ =	shalt  }
0x59: {  	_ =	shalt  }
0x5a: {  	_ =	shalt  }
0x5b: {  	_ =	shalt  }
0x5c: {  	_ =	shalt  }
0x5d: {  	_ =	shalt  }
0x5e: {  	_ =	shalt  }
0x5f: {  	_ =	shalt  }
0x60: {  	_ =	shalt  }
0x61: {  	_ =	shalt  }
0x62: {  	_ =	shalt  }
0x63: {  	_ =	shalt  }
0x64: {  	_ =	shalt  }
0x65: {  	_ =	shalt  }
0x66: {  	_ =	shalt  }
0x67: {  	_ =	shalt  }
0x68: {  	_ =	shalt  }
0x69: {  	_ =	shalt  }
0x6a: {  	_ =	shalt  }
0x6b: {  	_ =	shalt  }
0x6c: {  	_ =	shalt  }
0x6d: {  	_ =	shalt  }
0x6e: {  	_ =	shalt  }
0x6f: {  	_ =	shalt  }
0x70: {  	_ =	shalt  }
0x71: {  	_ =	shalt  }
0x72: {  	_ =	shalt  }
0x73: {  	_ =	shalt  }
0x74: {  	_ =	shalt  }
0x75: {  	_ =	shalt  }
0x76: {  	_ =	shalt  }
0x77: {  	_ =	shalt  }
0x78: {  	_ =	shalt  }
0x79: {  	_ =	shalt  }
0x7a: {  	_ =	shalt  }
0x7b: {  	_ =	shalt  }
0x7c: {  	_ =	shalt  }
0x7d: {  	_ =	shalt  }
0x7e: {  	_ =	shalt  }
0x7f: {  	_ =	shalt  }
0x80: {  	_ =	shalt  }
0x81: {  	_ =	shalt  }
0x82: {  	_ =	shalt  }
0x83: {  	_ =	shalt  }
0x84: {  	_ =	shalt  }
0x85: {  	_ =	shalt  }
0x86: {  	_ =	shalt  }
0x87: {  	_ =	shalt  }
.Lfunc_end0:
.L_simem_size_0:
called_computation_lowered:
.L_overlay_start_0:
0x88: {  	s2 =	sld [smem:$0x3FD9]  }
0x89: {  	s3 =	sld [smem:$0x3FFE];
	_ =	sdelay $0x1  }
0x8a: {  	s1 =	srdreg.scid  }
0x8b: {  	s0 =	sand.u32 $0x1, s1  }
0x8c: {  	s17 =	sshll.u32 s0, $0xA;
	s2 =	sadd.s32 s3, s2  }
0x8d: {  	s2 =	sadd.s32 s2, s17  }
0x8e: {  	[smem:$0x3FC7] =	sst s2  }
0x8f: {  	_ = 	snop  }
0x90: {  	s2 =	sld [smem:$0x3FD0];
	(tm) =	ssettm $0x1  }
0x91: {  	s18 =	sld [smem:$0x3FFB];
	_ =	sdelay $0x3  }
0x92: {  	_ =	strace s18  }
0x93: {  	s3 =	sld [smem:$0x3FFC];
	_ =	sdelay $0x3  }
0x94: {  	_ =	strace s3  }
0x95: {  	s3 =	sld [smem:$0x3FFD];
	_ =	sdelay $0x3  }
0x96: {  	_ =	strace s3  }
0x97: {  	_ =	strace $0x8FFFFFFF  }
0x98: {  	s19 =	sld [smem:$0x3FDB];
	_ =	sdelay $0x1  }
0x99: {  	s4 =	simm.s32 $_scs_section_size  }
0x9a: {  	s5 =	simm.s32 $_size__tile_overlayer_lowered;
	s6 =	simm.s32 $_tile_overlayer_lowered  }
0x9b: {  	s22 =	simm.s32 $0x1BFF;
	s21 =	sshll.u32 s6, $0x1;
	s3 =	sadd.s32 s4, s19  }
0x9c: {  	s7 =	simm.s32 $0x0;
	s20 =	sshll.u32 s5, $0x1;
	s5 =	sadd.s32 s21, s3  }
0x9d: {  	[timem:s7], [sflag:s22] =	dma.local [hbm:s5], s20  }
0x9e: {  	_ =	swait.ge [sflag:s22], s20  }
0x9f: {  	s4 =	ssub.s32 $0x0, s20;
	[sflag:s22] =	ssyncset.done $0x0  }
0xa0: {  	[sflag:s22] =	ssyncadd.s32 s4;
	_ =	sdelay $0x1  }
0xa1: {  	s23 =	simm.s32 $0x1B8B  }
0xa2: {  	_ =	swait.ge [sflag:s23], $0x1  }
0xa3: {  	[sflag:s23] =	ssyncset.done $0x0  }
0xa4: {  	s25 =	simm.s32 $0x1B8E;
	s24 =	sld [smem:$0x3FFE];
	[sflag:s23] =	ssyncadd.s32 $0xFFFFFFFF  }
0xa5: {  	s26 =	simm.s32 $execute0_lowered;
	[smem:$0x3FD2] =	sst s25  }
0xa6: {  	s5 =	sshll.u32 s26, $0x1;
	_ =	strace $0x80000046;
	[dreg:$0x1] =	wrdreg $0xFFFFFFFF  }
0xa7: {  	s28 =	simm.s32 $_size_execute0_lowered;
	s3 =	sadd.s32 s3, s5;
	[dreg:$0x0] =	wrdreg $0x0  }
0xa8: {  	s5 =	sshll.u32 s28, $0x1;
	[dreg:$0x2] =	wrdreg s3  }
0xa9: {  	[dreg:$0x3] =	wrdreg s5  }
0xaa: {  	[dreg:$0x4] =	wrdreg $0xC0  }
0xab: {  	_ =	task [dreg:s7], $0x5FFFF  }
0xac: {  	[dreg:$0x1] =	wrdreg $0xFFFFFFFF  }
0xad: {  	[dreg:$0x0] =	wrdreg $0x60  }
0xae: {  	[dreg:$0x2] =	wrdreg s2  }
0xaf: {  	[dreg:$0x3] =	wrdreg s24  }
0xb0: {  	[dreg:$0x4] =	wrdreg $0x9  }
0xb1: {  	_ =	task.clear_ibuf [dreg:s7], $0x5FFFF;
	_ =	strace $0x90000046  }
0xb2: {  	s29 =	simm.s32 $0x9;
	_ =	strace $0x80000048  }
0xb3: {  	_ =	swait.ge [sflag:s29], $0x1  }
0xb4: {  	[sflag:s29] =	ssyncadd.s32 $0xFFFFFFFF  }
0xb5: {  	_ =	strace $0x90000048  }
0xb6: {  	_ =	sfence  }
0xb7: {  	s30 =	sld [smem:$0x0];
	_ =	sdelay $0x2  }
0xb8: {  	s31 =	sshll.u32 s1, $0xD;
	s1 =	sshrl.u32 s1, $0x2  }
0xb9: {  	s3 =	sand.u32 $0x4000, s31;
	s1 =	sadd.s32 s1, s30  }
0xba: {  	s0 =	sor.u32 s3, s0;
	s1 =	sshll.u32 s1, $0x11  }
0xbb: {  	s0 =	sor.u32 s1, s0  }
0xbc: {  	s0 =	sadd.s32 $0x8F2B, s0  }
0xbd: {  	[sflag:s0] =	ssyncadd.remote.s32 $0x1  }
0xbe: {  	_ =	sfence.sel $0xFFFF  }
0xbf: {  	[dreg:$0x0] =	wrdreg $0xFFFFFFFF;
	(pc) =	sbr.abs _section_cstart, $3  }
0xc0: {  	[dreg:$0x1] =	wrdreg $0xFFFFFFFF  }
0xc1: {  	_ =	task.clear_ibuf [dreg:s7], $0x2FFFF;
	_ =	strace $0x9FFFFFFF  }
0xc2: {  	(tm) =	ssettm $0x7FFFFFFF  }
0xc3: {  	_ =	shalt  }
tec
execute0_lowered:
.L_overlay_start_1:
0x0: {  	(tag) =	ssettag $0x1  }
0x1: {  	s1 =	srdreg.scid;
	s3 =	rddreg [dreg:$0x0]  }
0x2: {  	s0 =	stileid.u32;
	s5 =	rddreg [dreg:$0x1]  }
0x3: {  	s2 =	simm.s32 $0x0;
	s8 =	simm.s32 $0x1;
	s9 =	simm.s32 $0x8000  }
0x4: {  	s10 =	simm.s32 $0x0;
	s4 =	sand.u32 $0x1, s1;
	s1 =	rddreg [dreg:$0x2]  }
0x5: {  	s6 =	sshll.u32 s0, $0xA;
	[smem:$0x7FF] =	sst s2;
	s7 =	sshll.u32 s4, $0x9  }
0x6: {  	s4 =	ssub.s32 $0x2, s4;
	_ =	strace $0x80000047;
	s6 =	sor.u32 s7, s6  }
0x7: {  	s31 =	sshrl.u32 s4, $0x1;
	s7 =	sshrl.u32 s6, $0x3;
	s3 =	sadd.s32 s3, s6  }
0x8: {  	s6 =	simm.s32 $0x1000;
	s5 =	sadd.s32 s7, s5;
	s7 =	ssub.s32 s4, s31  }
0x9: {  	v0 =	vimm.f32 $0.0e+00;
	s4 =	sadd.s32 $0x20E00, s5;
	s5 =	smax.u32 s7, $0x1;
	s7 =	simm.s32 $0x20000  }
.LBB2_1:
0xa: {  	[tilespmem:s2], [sflag:$0x1] =	stream.strided.gather [hbm4b:s3+s6], $0x8000, s7, s6, $0x38;
	[tilespmem:$0x8200] =	vst v63  }
0xb: {  	_ =	swait.ge [sflag:s8], $0x8000  }
0xc: {  	[sflag:s8] =	ssyncset.done $0x0  }
0xd: {  	s11 =	simm.s32 $0x0;
	[sflag:s8] =	ssyncadd.s32 $0xFFFF8000  }
.LBB2_2:
0xe: {  	s12 =	sshll.u32 s11, $0x4  }
0xf: {  	s13 =	sand.u32 $0x70, s12  }
0x10: {  	v1 =	vmov s13  }
0x11: {  	s31 =	sshll.u32 s11, $0x7;
	s14 =	simm.s32 $0x0  }
0x12: {  	s15 =	sand.u32 $0x7000, s14;
	s13 =	sand.u32 $0xC00, s31  }
0x13: {  	s14 =	sand.u32 $0x380, s14;
	s15 =	sor.u32 s15, s13  }
0x14: {  	s15 =	sadd.s32 s14, s15  }
0x15: {  	v3 =	vld.idx.msk [tilespmem:v1+s15+$0x0 ss:$0x1], $0xffff  }
0x16: {  	v2 =	vimm.f32 $-3.399999950e+38;
	s14 =	simm.s32 $0x200;
	s15 =	simm.s32 $0x80  }
.LBB2_3:
0x17: {  	s16 =	sand.u32 $0x7000, s14;
	p0 =	sne.s32 s14, $0x7E00;
	s14 =	sadd.s32 $0x200, s14  }
.Ltmp0:
0x18: {  	s17 =	sand.u32 $0x380, s15;
	s16 =	sor.u32 s16, s13;
	(pc) =	sbr.rel @p0 .LBB2_3-.Ltmp0, $3  }
0x19: {  	s16 =	sadd.s32 s17, s16  }
0x1a: {  	v2 =	vmax.f32 v2, v3;
	v3 =	vld.idx.msk [tilespmem:v1+s16+$0x0 ss:$0x1], $0xffff;
	_ =	sdelay $0x1  }
0x1b: {  	s15 =	sadd.s32 $0x80, s15  }
0x1c: {  	_ =	sdelay $0x1  }
0x1d: {  	v2 =	vmax.f32 v2, v3  }
0x1e: {  	s14 =	simm.s32 $0x0;
	s15 =	simm.s32 $0x0;
	v3 =	vadd.f32 $-1.000000000e+00, v2  }
.LBB2_5:
0x1f: {  	_ = 	snop  }
0x20: {  	s16 =	sand.u32 $0x7000, s14  }
0x21: {  	s17 =	sand.u32 $0x380, s14;
	s16 =	sor.u32 s16, s13  }
0x22: {  	v4 =	vadd.f32 v2, v3;
	s17 =	sadd.s32 s17, s16  }
0x23: {  	v6 =	vld.idx.msk [tilespmem:v1+s17+$0x0 ss:$0x1], $0xffff  }
0x24: {  	v5 =	vimm.f32 $0.0e+00;
	s16 =	simm.s32 $0x200;
	v4 =	vmul.f32 $5.000000000e-01, v4;
	s17 =	simm.s32 $0x80  }
.LBB2_6:
0x25: {  	s18 =	sand.u32 $0x7000, s16;
	p0 =	sne.s32 s16, $0x7E00;
	s16 =	sadd.s32 $0x200, s16  }
.Ltmp1:
0x26: {  	s19 =	sand.u32 $0x380, s17;
	s18 =	sor.u32 s18, s13;
	(pc) =	sbr.rel @p0 .LBB2_6-.Ltmp1, $4  }
0x27: {  	s18 =	sadd.s32 s19, s18  }
0x28: {  	v7 =	vmax.f32 v6, v4;
	v6 =	vld.idx.msk [tilespmem:v1+s18+$0x0 ss:$0x1], $0xffff  }
0x29: {  	v5 =	vadd.f32 v7, v5  }
0x2a: {  	s17 =	sadd.s32 $0x80, s17  }
0x2b: {  	s15 =	sadd.s32 $0x1, s15  }
0x2c: {  	v7 =	vmul.f32 $6.400000000e+01, v4;
	p0 =	sne.s32 s15, $0x9  }
.Ltmp2:
0x2d: {  	v6 =	vmax.f32 v6, v4;
	(pc) =	sbr.rel @p0 .LBB2_5-.Ltmp2, $3  }
0x2e: {  	v63 =	vadd.f32 $1.000000000e+00, v7;
	v5 =	vadd.f32 v6, v5;
	_ =	sdelay $0x1  }
0x2f: {  	vm0 =	vge.f32 v5, v63  }
0x30: {  	v3 =	vsel vm0, v4, v3;
	v2 =	vsel vm0, v2, v4  }
0x31: {  	s14 =	simm.s32 $0x0  }
0x32: {  	s15 =	sand.u32 $0x7000, s14  }
0x33: {  	s14 =	sand.u32 $0x380, s14;
	s15 =	sor.u32 s15, s13  }
0x34: {  	s15 =	sadd.s32 s14, s15  }
0x35: {  	v5 =	vld.idx.msk [tilespmem:v1+s15+$0x0 ss:$0x1], $0xffff  }
0x36: {  	v4 =	vimm.f32 $0.0e+00;
	v6 =	vimm.f32 $0.0e+00;
	s14 =	simm.s32 $0x200;
	s15 =	simm.s32 $0x80  }
.LBB2_9:
0x37: {  	s16 =	sand.u32 $0x7000, s14;
	p0 =	sne.s32 s14, $0x7E00;
	s14 =	sadd.s32 $0x200, s14  }
.Ltmp3:
0x38: {  	s17 =	sand.u32 $0x380, s15;
	s16 =	sor.u32 s16, s13;
	(pc) =	sbr.rel @p0 .LBB2_9-.Ltmp3, $4  }
0x39: {  	s16 =	sadd.s32 s17, s16  }
0x3a: {  	vm0 =	vgt.f32 v5, v3;
	v7 =	vmov v5;
	v5 =	vld.idx.msk [tilespmem:v1+s16+$0x0 ss:$0x1], $0xffff  }
0x3b: {  	v8 =	vsel vm0, $0x3F800000, v0;
	v7 =	vnsel vm0, $0x0, v7  }
0x3c: {  	s15 =	sadd.s32 $0x80, s15;
	v4 =	vadd.f32 v8, v4;
	v6 =	vadd.f32 v7, v6  }
0x3d: {  	_ =	sdelay $0x1  }
0x3e: {  	vm0 =	vgt.f32 v5, v3  }
0x3f: {  	v1 =	vsel vm0, $0x3F800000, v0  }
0x40: {  	v1 =	vadd.f32 v1, v4;
	_ =	sdelay $0x1  }
0x41: {  	(erf) = vrcp.f32 v1;
	_ =	sdelay $0x4  }
0x42: {  	v1 =	vnsel vm0, $0x0, v5  }
0x43: {  	v1 =	vadd.f32 v1, v6;
	_ =	sdelay $0x1  }
0x44: {  	s11 =	sadd.s32 $0x1, s11;
	v1 =	vadd.f32 $-1.000000000e+00, v1  }
0x45: {  	p0 =	sne.s32 s11, $0x20;
	v63 =	vpop (erf)  }
.Ltmp4:
0x46: {  	v1 =	vmul.f32 v1, v63;
	(pc) =	sbr.rel @p0 .LBB2_2-.Ltmp4, $4  }
0x47: {  	_ = 	snop  }
0x48: {  	v1 =	vmax.f32 v3, v1  }
0x49: {  	v1 =	vmin.f32 v2, v1  }
0x4a: {  	[tilespmem:s12+$0x8000] =	vst v1  }
0x4b: {  	s10 =	sadd.s32 $0x1, s10  }
0x4c: {  	p0 =	sne.s32 s10, s5  }
.Ltmp5:
0x4d: {  	_ = 	snop;
	(pc) =	sbr.rel @p0 .LBB2_1-.Ltmp5, $4  }
0x4e: {  	[hbm4b:s4+s2] =	stream.linear.scatter [tilespmem:s9], [sflag:$0x1], $0x200, $0x38;
	[tilespmem:$0x8200] =	vst v63  }
0x4f: {  	_ =	swait.ge [sflag:s8], $0x200  }
0x50: {  	[sflag:s8] =	ssyncset.done $0x0  }
0x51: {  	[sflag:s8] =	ssyncadd.s32 $0xFFFFFE00  }
0x52: {  	_ =	sfence.sel $0x180000  }
0x53: {  	[bflag:$0x0] =	sbarrier.arrive $0xFFFF  }
0x54: {  	p0 =	sne.s32 s0, $0x0;
	_ =	strace $0x90000047  }
0x55: {  	s0 =	sadd.s32 @!p0 $0x100000, s1;
	[bflag:$0x2] =	sbarrier.arrive $0xFFFF  }
0x56: {  	[sflag:s0] =	ssyncadd.tile.s32 @!p0 $0x1;
	_ =	shalt  }
.Lfunc_end2:
_tile_overlayer_lowered:
.L_overlay_start_2:
0x57: {  	(tag) =	ssettag $0x2  }
0x58: {  	s0 =	rddreg [dreg:$0x0];
	s2 =	stileid.u32  }
0x59: {  	s1 =	rddreg [dreg:$0x1];
	p0 =	sne.s32 s2, $0x0  }
0x5a: {  	s3 =	rddreg [dreg:$0x2];
	[bflag:$0x3] =	sbarrier.arrive $0xFFFF;
	s2 =	simm.s32 @!p0 $0x1C01  }
0x5b: {  	[timem:s3], [sflag:s2] =	dma.local @!p0 [hbm:s0], s1  }
0x5c: {  	s0 =	simm.s32 @!p0 $0x1  }
0x5d: {  	_ =	swait.ge @!p0 [sflag:s0], s1  }
0x5e: {  	s1 =	ssub.s32 @!p0 $0x0, s1;
	[sflag:s0] =	ssyncset.done @!p0 $0x0  }
0x5f: {  	[sflag:s0] =	ssyncadd.s32 @!p0 s1  }
0x60: {  	[bflag:$0x3] =	sbarrier.arrive $0xFFFF  }
0x61: {  	_ =	shalt  }

// kernel: kernel.9.cloned.1.call-start
scs
__scs_entry_jumppad:
0x0: {  	(pc) =	sbr.rel $0x88, $3  }
0x1: {  	(tag) =	ssettag $0x0;
	lr =	simm.s32 $0x1  }
0x2: {  	[smem:$0x3FA0] =	sst lr;
	_ =	strace $0xD0000000  }
0x3: {  	_ = 	snop  }
0x4: {  	_ = 	snop  }
0x5: {  	_ = 	snop  }
0x6: {  	_ = 	snop  }
0x7: {  	_ = 	snop  }
__scs_overlays_trampoline_lowered:
0x8: {  	[smem:$0x3FAF] =	sst s0  }
0x9: {  	[smem:$0x3FB0] =	sst s1  }
0xa: {  	[smem:$0x3FB1] =	sst s2  }
0xb: {  	[smem:$0x3FB2] =	sst s3  }
0xc: {  	[smem:$0x3FB3] =	sst s4  }
0xd: {  	[smem:$0x3FB4] =	sst s5  }
0xe: {  	[smem:$0x3FB5] =	sst s6  }
0xf: {  	[smem:$0x3FB6] =	sst s7  }
0x10: {  	[smem:$0x3FB7] =	sst s8  }
0x11: {  	[smem:$0x3FB8] =	sst s9;
	s0 =	simm.s32 @!p0 $0x0  }
0x12: {  	s1 =	sld [smem:$0x3F9E];
	s0 =	simm.s32 @p0 $0x1  }
0x13: {  	[smem:$0x3FB9] =	sst s0;
	s0 =	simm.s32 @!p1 $0x0  }
0x14: {  	s2 =	sld [smem:$0x3F9D];
	s0 =	simm.s32 @p1 $0x1  }
0x15: {  	[smem:$0x3FBA] =	sst s0;
	s0 =	simm.s32 @!p2 $0x0  }
0x16: {  	s3 =	sld [smem:$0x3FDB];
	s0 =	simm.s32 @p2 $0x1  }
0x17: {  	s4 =	simm.s32 $0x1BF5;
	[smem:$0x3FBC] =	sst s0  }
0x18: {  	s0 =	sld [smem:$0x3F9F];
	_ =	swait.ge [sflag:s4], $0x0  }
0x19: {  	s7 =	sld [smem:$0x3FA0]  }
0x1a: {  	s8 =	sadd.s32 $0xFFFFE003, lr  }
0x1b: {  	s9 =	sadd.s32 $0xFFFFFEF7, lr;
	s5 =	simm.s32 $0xFFFFFFFF;
	p2 =	slt.u32 s8, $0xFFFFF086  }
0x1c: {  	p1 =	slt.u32 s9, $0xF7A;
	s5 =	simm.s32 @!p2 $0x0  }
0x1d: {  	s5 =	simm.s32 @p1 $0x1;
	p0 =	seq.s32 s7, s2  }
0x1e: {  	s7 =	smul.u32 @!p0 $0xF7A, s2;
	p2 =	seq.s32 @!p0 s5, $0x0  }
0x1f: {  	s9 =	smul.u32 $0xF7A, s1;
	s8 =	simm.s32 @!p0 $0x1BF5;
	p2 =	por !p2, p0  }
0x20: {  	[sflag:s8] =	ssyncset.s32 @!p0 $0xFFFFF086;
	s6 =	sadd.s32 @!p0 s3, s7;
	s7 =	simm.s32 @!p0 $0x108  }
0x21: {  	s3 =	sadd.s32 s3, s9;
	s6 =	sadd.s32 @!p0 $0x88, s6;
	s7 =	simm.s32 @p2 $0x1082  }
0x22: {  	[simem:s7], [sflag:s8] =	dma.local @!p0 [hbm:s6], $0xF7A  }
0x23: {  	s9 =	sor.u32 $0xD0000000, s2;
	s6 =	simm.s32 $0x108;
	_ =	swait.ge @!p0 [sflag:s8], $0x0  }
0x24: {  	s3 =	sadd.s32 $0x88, s3;
	s6 =	simm.s32 @!p1 $0x1082;
	[sflag:s4] =	ssyncset.s32 $0xFFFFF086  }
0x25: {  	[simem:s6], [sflag:s4] =	dma.local [hbm:s3], $0xF7A  }
0x26: {  	[smem:$0x3FA0] =	sst s1;
	(tag) =	ssettag s2;
	_ =	strace s9  }
0x27: {  	s1 =	sld [smem:$0x3FB0]  }
0x28: {  	s2 =	sld [smem:$0x3FB1]  }
0x29: {  	s4 =	sld [smem:$0x3FB3]  }
0x2a: {  	p0 =	seq.s32 s5, $0x0;
	s5 =	sld [smem:$0x3FB4]  }
0x2b: {  	s6 =	sld [smem:$0x3FB5]  }
0x2c: {  	s7 =	sld [smem:$0x3FB6]  }
0x2d: {  	s3 =	simm.s32 $0x108;
	s8 =	sld [smem:$0x3FB7]  }
0x2e: {  	s3 =	simm.s32 @!p0 $0x1082;
	s9 =	sld [smem:$0x3FB8]  }
0x2f: {  	lr =	sadd.s32 s0, s3;
	s0 =	sld [smem:$0x3FAF]  }
0x30: {  	s3 =	sld [smem:$0x3FB2]  }
0x31: {  	[smem:$0x3FBB] =	sst s10  }
0x32: {  	s10 =	sld [smem:$0x3FB9];
	_ =	sdelay $0x3  }
0x33: {  	p0 =	seq.s32 s10, $0x1;
	s10 =	sld [smem:$0x3FBB];
	_ =	sdelay $0x3  }
0x34: {  	[smem:$0x3FBB] =	sst s10  }
0x35: {  	s10 =	sld [smem:$0x3FBA];
	_ =	sdelay $0x3  }
0x36: {  	p1 =	seq.s32 s10, $0x1;
	s10 =	sld [smem:$0x3FBB];
	_ =	sdelay $0x3  }
0x37: {  	[smem:$0x3FBB] =	sst s10  }
0x38: {  	s10 =	sld [smem:$0x3FBC]  }
0x39: {  	_ = 	snop;
	(pc) =	sbr.ind lr, $3  }
0x3a: {  	_ = 	snop  }
0x3b: {  	_ = 	snop  }
0x3c: {  	p2 =	seq.s32 s10, $0x1;
	s10 =	sld [smem:$0x3FBB]  }
0x3d: {  	_ =	shalt  }
0x3e: {  	_ =	shalt  }
0x3f: {  	_ =	shalt  }
0x40: {  	_ =	shalt  }
0x41: {  	_ =	shalt  }
0x42: {  	_ =	shalt  }
0x43: {  	_ =	shalt  }
0x44: {  	_ =	shalt  }
0x45: {  	_ =	shalt  }
0x46: {  	_ =	shalt  }
0x47: {  	_ =	shalt  }
0x48: {  	_ =	shalt  }
0x49: {  	_ =	shalt  }
0x4a: {  	_ =	shalt  }
0x4b: {  	_ =	shalt  }
0x4c: {  	_ =	shalt  }
0x4d: {  	_ =	shalt  }
0x4e: {  	_ =	shalt  }
0x4f: {  	_ =	shalt  }
0x50: {  	_ =	shalt  }
0x51: {  	_ =	shalt  }
0x52: {  	_ =	shalt  }
0x53: {  	_ =	shalt  }
0x54: {  	_ =	shalt  }
0x55: {  	_ =	shalt  }
0x56: {  	_ =	shalt  }
0x57: {  	_ =	shalt  }
0x58: {  	_ =	shalt  }
0x59: {  	_ =	shalt  }
0x5a: {  	_ =	shalt  }
0x5b: {  	_ =	shalt  }
0x5c: {  	_ =	shalt  }
0x5d: {  	_ =	shalt  }
0x5e: {  	_ =	shalt  }
0x5f: {  	_ =	shalt  }
0x60: {  	_ =	shalt  }
0x61: {  	_ =	shalt  }
0x62: {  	_ =	shalt  }
0x63: {  	_ =	shalt  }
0x64: {  	_ =	shalt  }
0x65: {  	_ =	shalt  }
0x66: {  	_ =	shalt  }
0x67: {  	_ =	shalt  }
0x68: {  	_ =	shalt  }
0x69: {  	_ =	shalt  }
0x6a: {  	_ =	shalt  }
0x6b: {  	_ =	shalt  }
0x6c: {  	_ =	shalt  }
0x6d: {  	_ =	shalt  }
0x6e: {  	_ =	shalt  }
0x6f: {  	_ =	shalt  }
0x70: {  	_ =	shalt  }
0x71: {  	_ =	shalt  }
0x72: {  	_ =	shalt  }
0x73: {  	_ =	shalt  }
0x74: {  	_ =	shalt  }
0x75: {  	_ =	shalt  }
0x76: {  	_ =	shalt  }
0x77: {  	_ =	shalt  }
0x78: {  	_ =	shalt  }
0x79: {  	_ =	shalt  }
0x7a: {  	_ =	shalt  }
0x7b: {  	_ =	shalt  }
0x7c: {  	_ =	shalt  }
0x7d: {  	_ =	shalt  }
0x7e: {  	_ =	shalt  }
0x7f: {  	_ =	shalt  }
0x80: {  	_ =	shalt  }
0x81: {  	_ =	shalt  }
0x82: {  	_ =	shalt  }
0x83: {  	_ =	shalt  }
0x84: {  	_ =	shalt  }
0x85: {  	_ =	shalt  }
0x86: {  	_ =	shalt  }
0x87: {  	_ =	shalt  }
.Lfunc_end0:
.L_simem_size_0:
called_computation.1_lowered:
.L_overlay_start_0:
0x88: {  	s2 =	sld [smem:$0x3FD9]  }
0x89: {  	s3 =	sld [smem:$0x3FFE];
	_ =	sdelay $0x1  }
0x8a: {  	s1 =	srdreg.scid  }
0x8b: {  	s0 =	sand.u32 $0x1, s1  }
0x8c: {  	s17 =	sshll.u32 s0, $0xA;
	s2 =	sadd.s32 s3, s2  }
0x8d: {  	s2 =	sadd.s32 s2, s17  }
0x8e: {  	[smem:$0x3FC7] =	sst s2  }
0x8f: {  	_ = 	snop  }
0x90: {  	(tm) =	ssettm $0x1  }
0x91: {  	s18 =	sld [smem:$0x3FFB];
	_ =	sdelay $0x3  }
0x92: {  	_ =	strace s18  }
0x93: {  	s2 =	sld [smem:$0x3FFC];
	_ =	sdelay $0x3  }
0x94: {  	_ =	strace s2  }
0x95: {  	s2 =	sld [smem:$0x3FFD];
	_ =	sdelay $0x3  }
0x96: {  	_ =	strace s2  }
0x97: {  	_ =	strace $0x8FFFFFFF  }
0x98: {  	s19 =	sld [smem:$0x3FDB];
	_ =	sdelay $0x1  }
0x99: {  	s20 =	simm.s32 $_scs_section_size  }
0x9a: {  	s4 =	simm.s32 $_size__tile_overlayer_lowered;
	s5 =	simm.s32 $_tile_overlayer_lowered  }
0x9b: {  	s6 =	simm.s32 $0x1BFF;
	s21 =	sshll.u32 s5, $0x1;
	s3 =	sadd.s32 s20, s19  }
0x9c: {  	s22 =	simm.s32 $0x0;
	s4 =	sshll.u32 s4, $0x1;
	s5 =	sadd.s32 s21, s3  }
0x9d: {  	[timem:s22], [sflag:s6] =	dma.local [hbm:s5], s4  }
0x9e: {  	_ =	swait.ge [sflag:s6], s4  }
0x9f: {  	s4 =	ssub.s32 $0x0, s4;
	[sflag:s6] =	ssyncset.done $0x0  }
0xa0: {  	[sflag:s6] =	ssyncadd.s32 s4;
	_ =	sdelay $0x1  }
0xa1: {  	s23 =	simm.s32 $0x1B8B  }
0xa2: {  	_ =	swait.ge [sflag:s23], $0x1  }
0xa3: {  	[sflag:s23] =	ssyncset.done $0x0  }
0xa4: {  	[sflag:s23] =	ssyncadd.s32 $0xFFFFFFFF  }
0xa5: {  	s4 =	sld [smem:$0x0]  }
0xa6: {  	s5 =	sand.u32 $0xFFFFFFFE, s1  }
0xa7: {  	p0 =	sne.s32 s1, s5  }
0xa8: {  	s5 =	sshll.u32 @p0 s5, $0xE  }
0xa9: {  	s5 =	sadd.s32 @p0 $0x11B8D, s5;
	s6 =	sshll.u32 @p0 s4, $0x11  }
0xaa: {  	s5 =	sor.u32 @p0 s6, s5  }
0xab: {  	[sflag:s5] =	ssyncadd.remote.s32 @p0 $0x1;
	_ =	sdelay $0x1  }
0xac: {  	s5 =	simm.s32 @p0 $0x1B8D  }
0xad: {  	_ =	swait.eq @p0 [sflag:s5], $0x1  }
0xae: {  	[sflag:s5] =	ssyncadd.s32 @p0 $0xFFFFFFFF  }
0xaf: {  	s6 =	sshll.u32 @!p0 s1, $0xE  }
0xb0: {  	s6 =	sor.u32 @!p0 $0x4000, s6;
	s5 =	simm.s32 @!p0 $0x1B8D  }
0xb1: {  	s4 =	sshll.u32 @!p0 s4, $0x11;
	s6 =	sadd.s32 @!p0 $0x11B8D, s6;
	_ =	swait.eq @!p0 [sflag:s5], $0x1  }
0xb2: {  	s4 =	sor.u32 @!p0 s4, s6;
	[sflag:s5] =	ssyncadd.s32 @!p0 $0xFFFFFFFF  }
0xb3: {  	s25 =	simm.s32 $0x1B8E;
	s24 =	sld [smem:$0x3FFE];
	[sflag:s4] =	ssyncadd.remote.s32 @!p0 $0x1  }
0xb4: {  	s26 =	simm.s32 $execute0_lowered;
	[smem:$0x3FD2] =	sst s25  }
0xb5: {  	s5 =	sshll.u32 s26, $0x1;
	_ =	strace $0x80000049;
	[dreg:$0x1] =	wrdreg $0xFFFFFFFF  }
0xb6: {  	s28 =	simm.s32 $_size_execute0_lowered;
	s3 =	sadd.s32 s3, s5;
	[dreg:$0x0] =	wrdreg $0x0  }
0xb7: {  	s5 =	sshll.u32 s28, $0x1;
	[dreg:$0x2] =	wrdreg s3  }
0xb8: {  	[dreg:$0x3] =	wrdreg s5  }
0xb9: {  	[dreg:$0x4] =	wrdreg $0xC0  }
0xba: {  	_ =	task [dreg:s22], $0x5FFFF  }
0xbb: {  	[dreg:$0x1] =	wrdreg $0xFFFFFFFF  }
0xbc: {  	[dreg:$0x0] =	wrdreg $0x60  }
0xbd: {  	[dreg:$0x2] =	wrdreg s24  }
0xbe: {  	[dreg:$0x3] =	wrdreg $0xA  }
0xbf: {  	_ =	task.clear_ibuf [dreg:s22], $0x4FFFF;
	_ =	strace $0x90000049  }
0xc0: {  	s29 =	simm.s32 $0xA;
	_ =	strace $0x8000004B  }
0xc1: {  	_ =	swait.ge [sflag:s29], $0x1  }
0xc2: {  	[sflag:s29] =	ssyncadd.s32 $0xFFFFFFFF  }
0xc3: {  	_ =	strace $0x9000004B  }
0xc4: {  	_ =	sfence  }
0xc5: {  	s30 =	sld [smem:$0x0];
	_ =	sdelay $0x2  }
0xc6: {  	s31 =	sshll.u32 s1, $0xD;
	s1 =	sshrl.u32 s1, $0x2  }
0xc7: {  	s4 =	sand.u32 $0x4000, s31;
	s1 =	sadd.s32 s1, s30  }
0xc8: {  	s0 =	sor.u32 s4, s0;
	s1 =	sshll.u32 s1, $0x11  }
0xc9: {  	s0 =	sor.u32 s1, s0  }
0xca: {  	s0 =	sadd.s32 $0x8F2B, s0  }
0xcb: {  	[sflag:s0] =	ssyncadd.remote.s32 $0x1  }
0xcc: {  	_ =	sfence.sel $0xFFFF  }
0xcd: {  	[dreg:$0x0] =	wrdreg $0xFFFFFFFF;
	(pc) =	sbr.abs _section_cstart, $3  }
0xce: {  	[dreg:$0x1] =	wrdreg $0xFFFFFFFF  }
0xcf: {  	_ =	task.clear_ibuf [dreg:s22], $0x2FFFF;
	_ =	strace $0x9FFFFFFF  }
0xd0: {  	(tm) =	ssettm $0x7FFFFFFF  }
0xd1: {  	_ =	shalt  }
tec
execute0_lowered:
.L_overlay_start_1:
0x0: {  	(tag) =	ssettag $0x1  }
0x1: {  	s3 =	rddreg [dreg:$0x0];
	s2 =	srdreg.scid  }
0x2: {  	s0 =	rddreg [dreg:$0x1];
	s1 =	stileid.u32  }
0x3: {  	s8 =	simm.s32 $0x1;
	s9 =	simm.s32 $0x8000;
	s10 =	simm.s32 $0x0  }
0x4: {  	s4 =	sand.u32 $0x1, s2;
	s2 =	simm.s32 $0x0;
	s5 =	sshll.u32 s1, $0x9  }
0x5: {  	s6 =	sshll.u32 s4, $0x8;
	[smem:$0x7FF] =	sst s2;
	s4 =	ssub.s32 $0x2, s4  }
0x6: {  	s5 =	sor.u32 s6, s5;
	_ =	strace $0x8000004A;
	s31 =	sshrl.u32 s4, $0x1  }
0x7: {  	s6 =	sshrl.u32 s5, $0x3;
	s5 =	sadd.s32 s5, s3;
	s7 =	ssub.s32 s4, s31  }
0x8: {  	s6 =	sadd.s32 s6, s3;
	s3 =	sadd.s32 $0xE00, s5;
	s5 =	smax.u32 s7, $0x1  }
0x9: {  	v0 =	vimm.f32 $0.0e+00;
	s7 =	simm.s32 $0x10000;
	s4 =	sadd.s32 $0x21600, s6;
	s6 =	simm.s32 $0x800  }
.LBB2_1:
0xa: {  	[tilespmem:s2], [sflag:$0x1] =	stream.strided.gather [hbm4b:s3+s6], $0x8000, s7, s6, $0x38;
	[tilespmem:$0x8100] =	vst v63  }
0xb: {  	_ =	swait.ge [sflag:s8], $0x8000  }
0xc: {  	[sflag:s8] =	ssyncset.done $0x0  }
0xd: {  	s11 =	simm.s32 $0x0;
	[sflag:s8] =	ssyncadd.s32 $0xFFFF8000  }
.LBB2_2:
0xe: {  	s12 =	sshll.u32 s11, $0x4  }
0xf: {  	s13 =	sand.u32 $0x70, s12  }
0x10: {  	v1 =	vmov s13  }
0x11: {  	s31 =	sshll.u32 s11, $0x7;
	s14 =	simm.s32 $0x0  }
0x12: {  	s15 =	sand.u32 $0x7800, s14;
	s13 =	sand.u32 $0x400, s31  }
0x13: {  	s14 =	sand.u32 $0x380, s14;
	s15 =	sor.u32 s15, s13  }
0x14: {  	s15 =	sadd.s32 s14, s15  }
0x15: {  	v3 =	vld.idx.msk [tilespmem:v1+s15+$0x0 ss:$0x1], $0xffff  }
0x16: {  	v2 =	vimm.f32 $-3.399999950e+38;
	s14 =	simm.s32 $0x100;
	s15 =	simm.s32 $0x80  }
.LBB2_3:
0x17: {  	s16 =	sand.u32 $0x7800, s14;
	p0 =	sne.s32 s14, $0x7F00;
	s14 =	sadd.s32 $0x100, s14  }
.Ltmp0:
0x18: {  	s17 =	sand.u32 $0x380, s15;
	s16 =	sor.u32 s16, s13;
	(pc) =	sbr.rel @p0 .LBB2_3-.Ltmp0, $3  }
0x19: {  	s16 =	sadd.s32 s17, s16  }
0x1a: {  	v2 =	vmax.f32 v2, v3;
	v3 =	vld.idx.msk [tilespmem:v1+s16+$0x0 ss:$0x1], $0xffff;
	_ =	sdelay $0x1  }
0x1b: {  	s15 =	sadd.s32 $0x80, s15  }
0x1c: {  	_ =	sdelay $0x1  }
0x1d: {  	v2 =	vmax.f32 v2, v3  }
0x1e: {  	s14 =	simm.s32 $0x0;
	s15 =	simm.s32 $0x0;
	v3 =	vadd.f32 $-1.000000000e+00, v2  }
.LBB2_5:
0x1f: {  	_ = 	snop  }
0x20: {  	s16 =	sand.u32 $0x7800, s14  }
0x21: {  	s17 =	sand.u32 $0x380, s14;
	s16 =	sor.u32 s16, s13  }
0x22: {  	v4 =	vadd.f32 v2, v3;
	s17 =	sadd.s32 s17, s16  }
0x23: {  	v6 =	vld.idx.msk [tilespmem:v1+s17+$0x0 ss:$0x1], $0xffff  }
0x24: {  	v5 =	vimm.f32 $0.0e+00;
	s16 =	simm.s32 $0x100;
	v4 =	vmul.f32 $5.000000000e-01, v4;
	s17 =	simm.s32 $0x80  }
.LBB2_6:
0x25: {  	s18 =	sand.u32 $0x7800, s16;
	p0 =	sne.s32 s16, $0x7F00;
	s16 =	sadd.s32 $0x100, s16  }
.Ltmp1:
0x26: {  	s19 =	sand.u32 $0x380, s17;
	s18 =	sor.u32 s18, s13;
	(pc) =	sbr.rel @p0 .LBB2_6-.Ltmp1, $4  }
0x27: {  	s18 =	sadd.s32 s19, s18  }
0x28: {  	v7 =	vmax.f32 v6, v4;
	v6 =	vld.idx.msk [tilespmem:v1+s18+$0x0 ss:$0x1], $0xffff  }
0x29: {  	v5 =	vadd.f32 v7, v5  }
0x2a: {  	s17 =	sadd.s32 $0x80, s17  }
0x2b: {  	s15 =	sadd.s32 $0x1, s15  }
0x2c: {  	v7 =	vmul.f32 $1.280000000e+02, v4;
	p0 =	sne.s32 s15, $0x9  }
.Ltmp2:
0x2d: {  	v6 =	vmax.f32 v6, v4;
	(pc) =	sbr.rel @p0 .LBB2_5-.Ltmp2, $3  }
0x2e: {  	v63 =	vadd.f32 $1.000000000e+00, v7;
	v5 =	vadd.f32 v6, v5;
	_ =	sdelay $0x1  }
0x2f: {  	vm0 =	vge.f32 v5, v63  }
0x30: {  	v3 =	vsel vm0, v4, v3;
	v2 =	vsel vm0, v2, v4  }
0x31: {  	s14 =	simm.s32 $0x0  }
0x32: {  	s15 =	sand.u32 $0x7800, s14  }
0x33: {  	s14 =	sand.u32 $0x380, s14;
	s15 =	sor.u32 s15, s13  }
0x34: {  	s15 =	sadd.s32 s14, s15  }
0x35: {  	v5 =	vld.idx.msk [tilespmem:v1+s15+$0x0 ss:$0x1], $0xffff  }
0x36: {  	v4 =	vimm.f32 $0.0e+00;
	v6 =	vimm.f32 $0.0e+00;
	s14 =	simm.s32 $0x100;
	s15 =	simm.s32 $0x80  }
.LBB2_9:
0x37: {  	s16 =	sand.u32 $0x7800, s14;
	p0 =	sne.s32 s14, $0x7F00;
	s14 =	sadd.s32 $0x100, s14  }
.Ltmp3:
0x38: {  	s17 =	sand.u32 $0x380, s15;
	s16 =	sor.u32 s16, s13;
	(pc) =	sbr.rel @p0 .LBB2_9-.Ltmp3, $4  }
0x39: {  	s16 =	sadd.s32 s17, s16  }
0x3a: {  	vm0 =	vgt.f32 v5, v3;
	v7 =	vmov v5;
	v5 =	vld.idx.msk [tilespmem:v1+s16+$0x0 ss:$0x1], $0xffff  }
0x3b: {  	v8 =	vsel vm0, $0x3F800000, v0;
	v7 =	vnsel vm0, $0x0, v7  }
0x3c: {  	s15 =	sadd.s32 $0x80, s15;
	v4 =	vadd.f32 v8, v4;
	v6 =	vadd.f32 v7, v6  }
0x3d: {  	_ =	sdelay $0x1  }
0x3e: {  	vm0 =	vgt.f32 v5, v3  }
0x3f: {  	v1 =	vsel vm0, $0x3F800000, v0  }
0x40: {  	v1 =	vadd.f32 v1, v4;
	_ =	sdelay $0x1  }
0x41: {  	(erf) = vrcp.f32 v1;
	_ =	sdelay $0x4  }
0x42: {  	v1 =	vnsel vm0, $0x0, v5  }
0x43: {  	v1 =	vadd.f32 v1, v6;
	_ =	sdelay $0x1  }
0x44: {  	s11 =	sadd.s32 $0x1, s11;
	v1 =	vadd.f32 $-1.000000000e+00, v1  }
0x45: {  	p0 =	sne.s32 s11, $0x10;
	v63 =	vpop (erf)  }
.Ltmp4:
0x46: {  	v1 =	vmul.f32 v1, v63;
	(pc) =	sbr.rel @p0 .LBB2_2-.Ltmp4, $4  }
0x47: {  	_ = 	snop  }
0x48: {  	v1 =	vmax.f32 v3, v1  }
0x49: {  	v1 =	vmin.f32 v2, v1  }
0x4a: {  	[tilespmem:s12+$0x8000] =	vst v1  }
0x4b: {  	s10 =	sadd.s32 $0x1, s10  }
0x4c: {  	p0 =	sne.s32 s10, s5  }
.Ltmp5:
0x4d: {  	_ = 	snop;
	(pc) =	sbr.rel @p0 .LBB2_1-.Ltmp5, $4  }
0x4e: {  	[hbm4b:s4+s2] =	stream.linear.scatter [tilespmem:s9], [sflag:$0x1], $0x100, $0x38;
	[tilespmem:$0x8100] =	vst v63  }
0x4f: {  	_ =	swait.ge [sflag:s8], $0x100  }
0x50: {  	[sflag:s8] =	ssyncset.done $0x0  }
0x51: {  	[sflag:s8] =	ssyncadd.s32 $0xFFFFFF00  }
0x52: {  	_ =	sfence.sel $0x180000  }
0x53: {  	[bflag:$0x0] =	sbarrier.arrive $0xFFFF  }
0x54: {  	p0 =	sne.s32 s1, $0x0;
	_ =	strace $0x9000004A  }
0x55: {  	s0 =	sadd.s32 @!p0 $0x100000, s0;
	[bflag:$0x2] =	sbarrier.arrive $0xFFFF  }
0x56: {  	[sflag:s0] =	ssyncadd.tile.s32 @!p0 $0x1;
	_ =	shalt  }
.Lfunc_end2:
_tile_overlayer_lowered:
.L_overlay_start_2:
0x57: {  	(tag) =	ssettag $0x2  }
0x58: {  	s0 =	rddreg [dreg:$0x0];
	s2 =	stileid.u32  }
0x59: {  	s1 =	rddreg [dreg:$0x1];
	p0 =	sne.s32 s2, $0x0  }
0x5a: {  	s3 =	rddreg [dreg:$0x2];
	[bflag:$0x3] =	sbarrier.arrive $0xFFFF;
	s2 =	simm.s32 @!p0 $0x1C01  }
0x5b: {  	[timem:s3], [sflag:s2] =	dma.local @!p0 [hbm:s0], s1  }
0x5c: {  	s0 =	simm.s32 @!p0 $0x1  }
0x5d: {  	_ =	swait.ge @!p0 [sflag:s0], s1  }
0x5e: {  	s1 =	ssub.s32 @!p0 $0x0, s1;
	[sflag:s0] =	ssyncset.done @!p0 $0x0  }
0x5f: {  	[sflag:s0] =	ssyncadd.s32 @!p0 s1  }
0x60: {  	[bflag:$0x3] =	sbarrier.arrive $0xFFFF  }
0x61: {  	_ =	shalt  }

</sc_bundles>
